<compile_context>
chip_gen: v7x
topology: tpu7x:2x2x1
jax: 0.10.2.dev20260603
libtpu: 0.0.44.dev20260713+nightly
codegen_flags: <defaults>
</compile_context>

<pallas_src>
import functools

import jax
import jax.numpy as jnp
from jax import lax
from jax.experimental import pallas as pl
from jax.experimental.pallas import tpu as pltpu
from jax.experimental.pallas import tpu_sc as plsc

_NBUF = 4
_CHUNK = 800


@functools.cache
def _make_gather(B, D):
    info = plsc.get_sparse_core_info()
    NC, NS = info.num_cores, info.num_subcores
    NW = NC * NS
    assert B % NW == 0
    per_w = B // NW
    C = _CHUNK
    assert per_w % (C * _NBUF) == 0
    n_groups = per_w // (C * _NBUF)
    assert n_groups >= 2

    mesh = plsc.VectorSubcoreMesh(core_axis_name="c", subcore_axis_name="s")

    @functools.partial(
        pl.kernel,
        mesh=mesh,
        out_type=jax.ShapeDtypeStruct((B, D), jnp.float32),
        scratch_types=(
            [pltpu.VMEM((_NBUF, C), jnp.int32),
             pltpu.VMEM((_NBUF, C, D), jnp.float32)]
            + [pltpu.SemaphoreType.DMA] * (3 * _NBUF)
        ),
        compiler_params=pltpu.CompilerParams(use_tc_tiling_on_sc=False),
    )
    def k(table_hbm, idx_hbm, out_hbm, idx_v, rows_v, *sems):
        sem_idx = sems[:_NBUF]
        sem_g = sems[_NBUF:2 * _NBUF]
        sem_out = sems[2 * _NBUF:]
        wid = lax.axis_index("s") * NC + lax.axis_index("c")
        base = wid * per_w

        def idx_copy(j, b):
            return pltpu.make_async_copy(
                idx_hbm.at[pl.ds(base + j * C, C)], idx_v.at[b], sem_idx[b])

        def gather_copy(b):
            return pltpu.make_async_copy(
                table_hbm.at[idx_v.at[b]], rows_v.at[b], sem_g[b])

        def out_copy(j, b):
            return pltpu.make_async_copy(
                rows_v.at[b], out_hbm.at[pl.ds(base + j * C, C)], sem_out[b])

        for b in range(_NBUF):
            idx_copy(b, b).start()

        for b in range(_NBUF):
            idx_copy(b, b).wait()
            gather_copy(b).start()
        for b in range(_NBUF):
            gather_copy(b).wait()
            out_copy(b, b).start()
            idx_copy(_NBUF + b, b).start()

        def group(g, carry):
            j0 = g * _NBUF
            for b in range(_NBUF):
                out_copy(j0 - _NBUF + b, b).wait()
                idx_copy(j0 + b, b).wait()
                gather_copy(b).start()
            for b in range(_NBUF):
                gather_copy(b).wait()
                out_copy(j0 + b, b).start()
                idx_copy(j0 + _NBUF + b, b).start()
            return carry

        lax.fori_loop(1, n_groups - 1, group, 0)

        j0 = (n_groups - 1) * _NBUF
        for b in range(_NBUF):
            out_copy(j0 - _NBUF + b, b).wait()
            idx_copy(j0 + b, b).wait()
            gather_copy(b).start()
        for b in range(_NBUF):
            gather_copy(b).wait()
            out_copy(j0 + b, b).start()
        for b in range(_NBUF):
            out_copy(j0 + b, b).wait()

    return k


def kernel(x, table):
    B = x.shape[0] * x.shape[1]
    D = table.shape[1]
    idx = x.reshape(B).astype(jnp.int32)
    out = _make_gather(B, D)(table, idx)
    return out.reshape(x.shape + (D,))

# --- scband reference (transcript-rebuilt; emitter-appended) ---
"""Pipeline reference for scband-one-hot-embedding-61813169324056 (READ-ONLY COPY).

The authoritative reference and input builder live on the scoring server;
editing this copy changes nothing except your own understanding.
"""

import jax, jax.numpy as jnp
import numpy as np

VOCAB = 100000
EMBED_DIM = 32
PAD_IDX = 0


def setup_inputs(seed: int = 0) -> dict:
    key = jax.random.key(seed)
    k1, k2 = jax.random.split(key)
    x = jax.random.randint(k1, (16384, 200), 0, VOCAB, dtype=jnp.int64)
    # Embedding table: normal init, padding row zeroed (as nn.Embedding does with padding_idx)
    table = jax.random.normal(k2, (VOCAB, EMBED_DIM), dtype=jnp.float32)
    table = table.at[PAD_IDX].set(0.0)
    return {"x": x, "table": table}


def reference(x, table):
    # OneHotEmbedding.forward: plain embedding lookup
    return jnp.take(table, x, axis=0)

if __name__ == "__main__":
    import jax
    _d = setup_inputs()
    print(jax.jit(kernel)(*tuple(_d.values())))

</pallas_src>

<mosaic_0001>
#map = affine_map<(d0, d1) -> (0, 0)>
#map1 = affine_map<(d0, d1) -> (0)>
module attributes {stable_mosaic.version = 14 : i64} {
  func.func @k(%arg0: i32, %arg1: i32, %arg2: memref<100000x32xf32, #tpu.memory_space<hbm>>, %arg3: memref<3276800xi32, #tpu.memory_space<hbm>>, %arg4: memref<3276800x32xf32, #tpu.memory_space<hbm>>, %arg5: memref<4x800xi32, #tpu.memory_space<vmem>>, %arg6: memref<4x800x32xf32, #tpu.memory_space<vmem>>, %arg7: memref<!tpu.dma_semaphore, #tpu.memory_space<semaphore_mem>>, %arg8: memref<!tpu.dma_semaphore, #tpu.memory_space<semaphore_mem>>, %arg9: memref<!tpu.dma_semaphore, #tpu.memory_space<semaphore_mem>>, %arg10: memref<!tpu.dma_semaphore, #tpu.memory_space<semaphore_mem>>, %arg11: memref<!tpu.dma_semaphore, #tpu.memory_space<semaphore_mem>>, %arg12: memref<!tpu.dma_semaphore, #tpu.memory_space<semaphore_mem>>, %arg13: memref<!tpu.dma_semaphore, #tpu.memory_space<semaphore_mem>>, %arg14: memref<!tpu.dma_semaphore, #tpu.memory_space<semaphore_mem>>, %arg15: memref<!tpu.dma_semaphore, #tpu.memory_space<semaphore_mem>>, %arg16: memref<!tpu.dma_semaphore, #tpu.memory_space<semaphore_mem>>, %arg17: memref<!tpu.dma_semaphore, #tpu.memory_space<semaphore_mem>>, %arg18: memref<!tpu.dma_semaphore, #tpu.memory_space<semaphore_mem>>) attributes {dimension_semantics = [#tpu.dimension_semantics<core_parallel>, #tpu.dimension_semantics<subcore_parallel>], iteration_bounds = array<i64: 2, 16>, scalar_prefetch = 0 : i64, scratch_operands = 14 : i64, tpu.core_type = #tpu.core_type<sc_vector_subcore>, window_params = [{transform_indices = #map}, {transform_indices = #map1}, {transform_indices = #map}]} {
    %mul3A = arith.constant 2 : i32
    %mul3A_0 = arith.muli %arg1, %mul3A : i32
    %add3A = arith.addi %mul3A_0, %arg0 : i32
    %mul3A_1 = arith.constant 102400 : i32
    %mul3A_2 = arith.muli %add3A, %mul3A_1 : i32
    %add3A_3 = arith.constant 0 : i32
    %add3A_4 = arith.addi %mul3A_2, %add3A_3 : i32
    %dma_start3A = arith.constant 0 : i32
    %dma_start3A_5 = arith.constant 0 : i32
    %dma_start3A_6 = tpu.memref_slice %arg5[%dma_start3A, %dma_start3A_5] : memref<4x800xi32, #tpu.memory_space<vmem>> -> memref<1x800xi32, #tpu.memory_space<vmem>>
    %dma_start3A_7 = tpu.memref_squeeze %dma_start3A_6 : memref<1x800xi32, #tpu.memory_space<vmem>> -> memref<800xi32, #tpu.memory_space<vmem>>
    %dma_start3A_8 = tpu.memref_slice %arg3[%add3A_4] : memref<3276800xi32, #tpu.memory_space<hbm>> -> memref<800xi32, #tpu.memory_space<hbm>>
    %dma_start3A_9 = arith.constant 0 : i32
    %dma_start3A_10 = tpu.memref_slice %arg5[%dma_start3A, %dma_start3A_9] : memref<4x800xi32, #tpu.memory_space<vmem>> -> memref<1x800xi32, #tpu.memory_space<vmem>>
    %dma_start3A_11 = tpu.memref_squeeze %dma_start3A_10 : memref<1x800xi32, #tpu.memory_space<vmem>> -> memref<800xi32, #tpu.memory_space<vmem>>
    %dma_start3A_12 = tpu.memref_slice %arg3[%add3A_4] : memref<3276800xi32, #tpu.memory_space<hbm>> -> memref<800xi32, #tpu.memory_space<hbm>>
    tpu.enqueue_dma source(%dma_start3A_12 : memref<800xi32, #tpu.memory_space<hbm>>) target(%dma_start3A_11 : memref<800xi32, #tpu.memory_space<vmem>>) target_semaphore(%arg7 : memref<!tpu.dma_semaphore, #tpu.memory_space<semaphore_mem>>)
    %add3A_13 = arith.constant 800 : i32
    %add3A_14 = arith.addi %mul3A_2, %add3A_13 : i32
    %dma_start3A_15 = arith.constant 1 : i32
    %dma_start3A_16 = arith.constant 0 : i32
    %dma_start3A_17 = tpu.memref_slice %arg5[%dma_start3A_15, %dma_start3A_16] : memref<4x800xi32, #tpu.memory_space<vmem>> -> memref<1x800xi32, #tpu.memory_space<vmem>>
    %dma_start3A_18 = tpu.memref_squeeze %dma_start3A_17 : memref<1x800xi32, #tpu.memory_space<vmem>> -> memref<800xi32, #tpu.memory_space<vmem>>
    %dma_start3A_19 = tpu.memref_slice %arg3[%add3A_14] : memref<3276800xi32, #tpu.memory_space<hbm>> -> memref<800xi32, #tpu.memory_space<hbm>>
    %dma_start3A_20 = arith.constant 0 : i32
    %dma_start3A_21 = tpu.memref_slice %arg5[%dma_start3A_15, %dma_start3A_20] : memref<4x800xi32, #tpu.memory_space<vmem>> -> memref<1x800xi32, #tpu.memory_space<vmem>>
    %dma_start3A_22 = tpu.memref_squeeze %dma_start3A_21 : memref<1x800xi32, #tpu.memory_space<vmem>> -> memref<800xi32, #tpu.memory_space<vmem>>
    %dma_start3A_23 = tpu.memref_slice %arg3[%add3A_14] : memref<3276800xi32, #tpu.memory_space<hbm>> -> memref<800xi32, #tpu.memory_space<hbm>>
    tpu.enqueue_dma source(%dma_start3A_23 : memref<800xi32, #tpu.memory_space<hbm>>) target(%dma_start3A_22 : memref<800xi32, #tpu.memory_space<vmem>>) target_semaphore(%arg8 : memref<!tpu.dma_semaphore, #tpu.memory_space<semaphore_mem>>)
    %add3A_24 = arith.constant 1600 : i32
    %add3A_25 = arith.addi %mul3A_2, %add3A_24 : i32
    %dma_start3A_26 = arith.constant 2 : i32
    %dma_start3A_27 = arith.constant 0 : i32
    %dma_start3A_28 = tpu.memref_slice %arg5[%dma_start3A_26, %dma_start3A_27] : memref<4x800xi32, #tpu.memory_space<vmem>> -> memref<1x800xi32, #tpu.memory_space<vmem>>
    %dma_start3A_29 = tpu.memref_squeeze %dma_start3A_28 : memref<1x800xi32, #tpu.memory_space<vmem>> -> memref<800xi32, #tpu.memory_space<vmem>>
    %dma_start3A_30 = tpu.memref_slice %arg3[%add3A_25] : memref<3276800xi32, #tpu.memory_space<hbm>> -> memref<800xi32, #tpu.memory_space<hbm>>
    %dma_start3A_31 = arith.constant 0 : i32
    %dma_start3A_32 = tpu.memref_slice %arg5[%dma_start3A_26, %dma_start3A_31] : memref<4x800xi32, #tpu.memory_space<vmem>> -> memref<1x800xi32, #tpu.memory_space<vmem>>
    %dma_start3A_33 = tpu.memref_squeeze %dma_start3A_32 : memref<1x800xi32, #tpu.memory_space<vmem>> -> memref<800xi32, #tpu.memory_space<vmem>>
    %dma_start3A_34 = tpu.memref_slice %arg3[%add3A_25] : memref<3276800xi32, #tpu.memory_space<hbm>> -> memref<800xi32, #tpu.memory_space<hbm>>
    tpu.enqueue_dma source(%dma_start3A_34 : memref<800xi32, #tpu.memory_space<hbm>>) target(%dma_start3A_33 : memref<800xi32, #tpu.memory_space<vmem>>) target_semaphore(%arg9 : memref<!tpu.dma_semaphore, #tpu.memory_space<semaphore_mem>>)
    %add3A_35 = arith.constant 2400 : i32
    %add3A_36 = arith.addi %mul3A_2, %add3A_35 : i32
    %dma_start3A_37 = arith.constant 3 : i32
    %dma_start3A_38 = arith.constant 0 : i32
    %dma_start3A_39 = tpu.memref_slice %arg5[%dma_start3A_37, %dma_start3A_38] : memref<4x800xi32, #tpu.memory_space<vmem>> -> memref<1x800xi32, #tpu.memory_space<vmem>>
    %dma_start3A_40 = tpu.memref_squeeze %dma_start3A_39 : memref<1x800xi32, #tpu.memory_space<vmem>> -> memref<800xi32, #tpu.memory_space<vmem>>
    %dma_start3A_41 = tpu.memref_slice %arg3[%add3A_36] : memref<3276800xi32, #tpu.memory_space<hbm>> -> memref<800xi32, #tpu.memory_space<hbm>>
    %dma_start3A_42 = arith.constant 0 : i32
    %dma_start3A_43 = tpu.memref_slice %arg5[%dma_start3A_37, %dma_start3A_42] : memref<4x800xi32, #tpu.memory_space<vmem>> -> memref<1x800xi32, #tpu.memory_space<vmem>>
    %dma_start3A_44 = tpu.memref_squeeze %dma_start3A_43 : memref<1x800xi32, #tpu.memory_space<vmem>> -> memref<800xi32, #tpu.memory_space<vmem>>
    %dma_start3A_45 = tpu.memref_slice %arg3[%add3A_36] : memref<3276800xi32, #tpu.memory_space<hbm>> -> memref<800xi32, #tpu.memory_space<hbm>>
    tpu.enqueue_dma source(%dma_start3A_45 : memref<800xi32, #tpu.memory_space<hbm>>) target(%dma_start3A_44 : memref<800xi32, #tpu.memory_space<vmem>>) target_semaphore(%arg10 : memref<!tpu.dma_semaphore, #tpu.memory_space<semaphore_mem>>)
    %add3A_46 = arith.constant 0 : i32
    %add3A_47 = arith.addi %mul3A_2, %add3A_46 : i32
    %dma_wait3A = arith.constant 0 : i32
    %dma_wait3A_48 = arith.constant 0 : i32
    %dma_wait3A_49 = tpu.memref_slice %arg5[%dma_wait3A, %dma_wait3A_48] : memref<4x800xi32, #tpu.memory_space<vmem>> -> memref<1x800xi32, #tpu.memory_space<vmem>>
    %dma_wait3A_50 = tpu.memref_squeeze %dma_wait3A_49 : memref<1x800xi32, #tpu.memory_space<vmem>> -> memref<800xi32, #tpu.memory_space<vmem>>
    %dma_wait3A_51 = tpu.memref_slice %arg3[%add3A_47] : memref<3276800xi32, #tpu.memory_space<hbm>> -> memref<800xi32, #tpu.memory_space<hbm>>
    %dma_wait3A_52 = arith.constant 0 : i32
    %dma_wait3A_53 = tpu.memref_slice %arg5[%dma_wait3A, %dma_wait3A_52] : memref<4x800xi32, #tpu.memory_space<vmem>> -> memref<1x800xi32, #tpu.memory_space<vmem>>
    %dma_wait3A_54 = tpu.memref_squeeze %dma_wait3A_53 : memref<1x800xi32, #tpu.memory_space<vmem>> -> memref<800xi32, #tpu.memory_space<vmem>>
    %dma_wait3A_55 = tpu.memref_slice %arg3[%add3A_47] : memref<3276800xi32, #tpu.memory_space<hbm>> -> memref<800xi32, #tpu.memory_space<hbm>>
    tpu.wait_dma2 semaphore(%arg7 : memref<!tpu.dma_semaphore, #tpu.memory_space<semaphore_mem>>) src(%dma_wait3A_55 : memref<800xi32, #tpu.memory_space<hbm>>) dst(%dma_wait3A_54 : memref<800xi32, #tpu.memory_space<vmem>>)
    %dma_start3A_56 = arith.constant 0 : i32
    %dma_start3A_57 = arith.constant 0 : i32
    %dma_start3A_58 = arith.constant 0 : i32
    %dma_start3A_59 = arith.constant 0 : i32
    %dma_start3A_60 = tpu.memref_slice %arg6[%dma_start3A_57, %dma_start3A_58, %dma_start3A_59] : memref<4x800x32xf32, #tpu.memory_space<vmem>> -> memref<1x800x32xf32, #tpu.memory_space<vmem>>
    %dma_start3A_61 = tpu.memref_squeeze %dma_start3A_60 : memref<1x800x32xf32, #tpu.memory_space<vmem>> -> memref<800x32xf32, #tpu.memory_space<vmem>>
    %dma_start3A_62 = arith.constant 0 : i32
    %dma_start3A_63 = tpu.memref_slice %arg5[%dma_start3A_56, %dma_start3A_62] : memref<4x800xi32, #tpu.memory_space<vmem>> -> memref<1x800xi32, #tpu.memory_space<vmem>>
    %dma_start3A_64 = tpu.memref_squeeze %dma_start3A_63 : memref<1x800xi32, #tpu.memory_space<vmem>> -> memref<800xi32, #tpu.memory_space<vmem>>
    %dma_start3A_65 = arith.constant 0 : i32
    %dma_start3A_66 = arith.constant 0 : i32
    %dma_start3A_67 = tpu.memref_slice %arg2[%dma_start3A_65, %dma_start3A_66] : memref<100000x32xf32, #tpu.memory_space<hbm>> -> memref<100000x32xf32, #tpu.memory_space<hbm>>
    tpu.enqueue_indirect_dma source(%dma_start3A_67 : memref<100000x32xf32, #tpu.memory_space<hbm>>) target(%dma_start3A_61 : memref<800x32xf32, #tpu.memory_space<vmem>>) offsets(%dma_start3A_64 : memref<800xi32, #tpu.memory_space<vmem>>) semaphore(%arg11 : memref<!tpu.dma_semaphore, #tpu.memory_space<semaphore_mem>>)
    %add3A_68 = arith.constant 800 : i32
    %add3A_69 = arith.addi %mul3A_2, %add3A_68 : i32
    %dma_wait3A_70 = arith.constant 1 : i32
    %dma_wait3A_71 = arith.constant 0 : i32
    %dma_wait3A_72 = tpu.memref_slice %arg5[%dma_wait3A_70, %dma_wait3A_71] : memref<4x800xi32, #tpu.memory_space<vmem>> -> memref<1x800xi32, #tpu.memory_space<vmem>>
    %dma_wait3A_73 = tpu.memref_squeeze %dma_wait3A_72 : memref<1x800xi32, #tpu.memory_space<vmem>> -> memref<800xi32, #tpu.memory_space<vmem>>
    %dma_wait3A_74 = tpu.memref_slice %arg3[%add3A_69] : memref<3276800xi32, #tpu.memory_space<hbm>> -> memref<800xi32, #tpu.memory_space<hbm>>
    %dma_wait3A_75 = arith.constant 0 : i32
    %dma_wait3A_76 = tpu.memref_slice %arg5[%dma_wait3A_70, %dma_wait3A_75] : memref<4x800xi32, #tpu.memory_space<vmem>> -> memref<1x800xi32, #tpu.memory_space<vmem>>
    %dma_wait3A_77 = tpu.memref_squeeze %dma_wait3A_76 : memref<1x800xi32, #tpu.memory_space<vmem>> -> memref<800xi32, #tpu.memory_space<vmem>>
    %dma_wait3A_78 = tpu.memref_slice %arg3[%add3A_69] : memref<3276800xi32, #tpu.memory_space<hbm>> -> memref<800xi32, #tpu.memory_space<hbm>>
    tpu.wait_dma2 semaphore(%arg8 : memref<!tpu.dma_semaphore, #tpu.memory_space<semaphore_mem>>) src(%dma_wait3A_78 : memref<800xi32, #tpu.memory_space<hbm>>) dst(%dma_wait3A_77 : memref<800xi32, #tpu.memory_space<vmem>>)
    %dma_start3A_79 = arith.constant 1 : i32
    %dma_start3A_80 = arith.constant 1 : i32
    %dma_start3A_81 = arith.constant 0 : i32
    %dma_start3A_82 = arith.constant 0 : i32
    %dma_start3A_83 = tpu.memref_slice %arg6[%dma_start3A_80, %dma_start3A_81, %dma_start3A_82] : memref<4x800x32xf32, #tpu.memory_space<vmem>> -> memref<1x800x32xf32, #tpu.memory_space<vmem>>
    %dma_start3A_84 = tpu.memref_squeeze %dma_start3A_83 : memref<1x800x32xf32, #tpu.memory_space<vmem>> -> memref<800x32xf32, #tpu.memory_space<vmem>>
    %dma_start3A_85 = arith.constant 0 : i32
    %dma_start3A_86 = tpu.memref_slice %arg5[%dma_start3A_79, %dma_start3A_85] : memref<4x800xi32, #tpu.memory_space<vmem>> -> memref<1x800xi32, #tpu.memory_space<vmem>>
    %dma_start3A_87 = tpu.memref_squeeze %dma_start3A_86 : memref<1x800xi32, #tpu.memory_space<vmem>> -> memref<800xi32, #tpu.memory_space<vmem>>
    %dma_start3A_88 = arith.constant 0 : i32
    %dma_start3A_89 = arith.constant 0 : i32
    %dma_start3A_90 = tpu.memref_slice %arg2[%dma_start3A_88, %dma_start3A_89] : memref<100000x32xf32, #tpu.memory_space<hbm>> -> memref<100000x32xf32, #tpu.memory_space<hbm>>
    tpu.enqueue_indirect_dma source(%dma_start3A_90 : memref<100000x32xf32, #tpu.memory_space<hbm>>) target(%dma_start3A_84 : memref<800x32xf32, #tpu.memory_space<vmem>>) offsets(%dma_start3A_87 : memref<800xi32, #tpu.memory_space<vmem>>) semaphore(%arg12 : memref<!tpu.dma_semaphore, #tpu.memory_space<semaphore_mem>>)
    %add3A_91 = arith.constant 1600 : i32
    %add3A_92 = arith.addi %mul3A_2, %add3A_91 : i32
    %dma_wait3A_93 = arith.constant 2 : i32
    %dma_wait3A_94 = arith.constant 0 : i32
    %dma_wait3A_95 = tpu.memref_slice %arg5[%dma_wait3A_93, %dma_wait3A_94] : memref<4x800xi32, #tpu.memory_space<vmem>> -> memref<1x800xi32, #tpu.memory_space<vmem>>
    %dma_wait3A_96 = tpu.memref_squeeze %dma_wait3A_95 : memref<1x800xi32, #tpu.memory_space<vmem>> -> memref<800xi32, #tpu.memory_space<vmem>>
    %dma_wait3A_97 = tpu.memref_slice %arg3[%add3A_92] : memref<3276800xi32, #tpu.memory_space<hbm>> -> memref<800xi32, #tpu.memory_space<hbm>>
    %dma_wait3A_98 = arith.constant 0 : i32
    %dma_wait3A_99 = tpu.memref_slice %arg5[%dma_wait3A_93, %dma_wait3A_98] : memref<4x800xi32, #tpu.memory_space<vmem>> -> memref<1x800xi32, #tpu.memory_space<vmem>>
    %dma_wait3A_100 = tpu.memref_squeeze %dma_wait3A_99 : memref<1x800xi32, #tpu.memory_space<vmem>> -> memref<800xi32, #tpu.memory_space<vmem>>
    %dma_wait3A_101 = tpu.memref_slice %arg3[%add3A_92] : memref<3276800xi32, #tpu.memory_space<hbm>> -> memref<800xi32, #tpu.memory_space<hbm>>
    tpu.wait_dma2 semaphore(%arg9 : memref<!tpu.dma_semaphore, #tpu.memory_space<semaphore_mem>>) src(%dma_wait3A_101 : memref<800xi32, #tpu.memory_space<hbm>>) dst(%dma_wait3A_100 : memref<800xi32, #tpu.memory_space<vmem>>)
    %dma_start3A_102 = arith.constant 2 : i32
    %dma_start3A_103 = arith.constant 2 : i32
    %dma_start3A_104 = arith.constant 0 : i32
    %dma_start3A_105 = arith.constant 0 : i32
    %dma_start3A_106 = tpu.memref_slice %arg6[%dma_start3A_103, %dma_start3A_104, %dma_start3A_105] : memref<4x800x32xf32, #tpu.memory_space<vmem>> -> memref<1x800x32xf32, #tpu.memory_space<vmem>>
    %dma_start3A_107 = tpu.memref_squeeze %dma_start3A_106 : memref<1x800x32xf32, #tpu.memory_space<vmem>> -> memref<800x32xf32, #tpu.memory_space<vmem>>
    %dma_start3A_108 = arith.constant 0 : i32
    %dma_start3A_109 = tpu.memref_slice %arg5[%dma_start3A_102, %dma_start3A_108] : memref<4x800xi32, #tpu.memory_space<vmem>> -> memref<1x800xi32, #tpu.memory_space<vmem>>
    %dma_start3A_110 = tpu.memref_squeeze %dma_start3A_109 : memref<1x800xi32, #tpu.memory_space<vmem>> -> memref<800xi32, #tpu.memory_space<vmem>>
    %dma_start3A_111 = arith.constant 0 : i32
    %dma_start3A_112 = arith.constant 0 : i32
    %dma_start3A_113 = tpu.memref_slice %arg2[%dma_start3A_111, %dma_start3A_112] : memref<100000x32xf32, #tpu.memory_space<hbm>> -> memref<100000x32xf32, #tpu.memory_space<hbm>>
    tpu.enqueue_indirect_dma source(%dma_start3A_113 : memref<100000x32xf32, #tpu.memory_space<hbm>>) target(%dma_start3A_107 : memref<800x32xf32, #tpu.memory_space<vmem>>) offsets(%dma_start3A_110 : memref<800xi32, #tpu.memory_space<vmem>>) semaphore(%arg13 : memref<!tpu.dma_semaphore, #tpu.memory_space<semaphore_mem>>)
    %add3A_114 = arith.constant 2400 : i32
    %add3A_115 = arith.addi %mul3A_2, %add3A_114 : i32
    %dma_wait3A_116 = arith.constant 3 : i32
    %dma_wait3A_117 = arith.constant 0 : i32
    %dma_wait3A_118 = tpu.memref_slice %arg5[%dma_wait3A_116, %dma_wait3A_117] : memref<4x800xi32, #tpu.memory_space<vmem>> -> memref<1x800xi32, #tpu.memory_space<vmem>>
    %dma_wait3A_119 = tpu.memref_squeeze %dma_wait3A_118 : memref<1x800xi32, #tpu.memory_space<vmem>> -> memref<800xi32, #tpu.memory_space<vmem>>
    %dma_wait3A_120 = tpu.memref_slice %arg3[%add3A_115] : memref<3276800xi32, #tpu.memory_space<hbm>> -> memref<800xi32, #tpu.memory_space<hbm>>
    %dma_wait3A_121 = arith.constant 0 : i32
    %dma_wait3A_122 = tpu.memref_slice %arg5[%dma_wait3A_116, %dma_wait3A_121] : memref<4x800xi32, #tpu.memory_space<vmem>> -> memref<1x800xi32, #tpu.memory_space<vmem>>
    %dma_wait3A_123 = tpu.memref_squeeze %dma_wait3A_122 : memref<1x800xi32, #tpu.memory_space<vmem>> -> memref<800xi32, #tpu.memory_space<vmem>>
    %dma_wait3A_124 = tpu.memref_slice %arg3[%add3A_115] : memref<3276800xi32, #tpu.memory_space<hbm>> -> memref<800xi32, #tpu.memory_space<hbm>>
    tpu.wait_dma2 semaphore(%arg10 : memref<!tpu.dma_semaphore, #tpu.memory_space<semaphore_mem>>) src(%dma_wait3A_124 : memref<800xi32, #tpu.memory_space<hbm>>) dst(%dma_wait3A_123 : memref<800xi32, #tpu.memory_space<vmem>>)
    %dma_start3A_125 = arith.constant 3 : i32
    %dma_start3A_126 = arith.constant 3 : i32
    %dma_start3A_127 = arith.constant 0 : i32
    %dma_start3A_128 = arith.constant 0 : i32
    %dma_start3A_129 = tpu.memref_slice %arg6[%dma_start3A_126, %dma_start3A_127, %dma_start3A_128] : memref<4x800x32xf32, #tpu.memory_space<vmem>> -> memref<1x800x32xf32, #tpu.memory_space<vmem>>
    %dma_start3A_130 = tpu.memref_squeeze %dma_start3A_129 : memref<1x800x32xf32, #tpu.memory_space<vmem>> -> memref<800x32xf32, #tpu.memory_space<vmem>>
    %dma_start3A_131 = arith.constant 0 : i32
    %dma_start3A_132 = tpu.memref_slice %arg5[%dma_start3A_125, %dma_start3A_131] : memref<4x800xi32, #tpu.memory_space<vmem>> -> memref<1x800xi32, #tpu.memory_space<vmem>>
    %dma_start3A_133 = tpu.memref_squeeze %dma_start3A_132 : memref<1x800xi32, #tpu.memory_space<vmem>> -> memref<800xi32, #tpu.memory_space<vmem>>
    %dma_start3A_134 = arith.constant 0 : i32
    %dma_start3A_135 = arith.constant 0 : i32
    %dma_start3A_136 = tpu.memref_slice %arg2[%dma_start3A_134, %dma_start3A_135] : memref<100000x32xf32, #tpu.memory_space<hbm>> -> memref<100000x32xf32, #tpu.memory_space<hbm>>
    tpu.enqueue_indirect_dma source(%dma_start3A_136 : memref<100000x32xf32, #tpu.memory_space<hbm>>) target(%dma_start3A_130 : memref<800x32xf32, #tpu.memory_space<vmem>>) offsets(%dma_start3A_133 : memref<800xi32, #tpu.memory_space<vmem>>) semaphore(%arg14 : memref<!tpu.dma_semaphore, #tpu.memory_space<semaphore_mem>>)
    %dma_wait3A_137 = arith.constant 0 : i32
    %dma_wait3A_138 = arith.constant 0 : i32
    %dma_wait3A_139 = arith.constant 0 : i32
    %dma_wait3A_140 = arith.constant 0 : i32
    %dma_wait3A_141 = tpu.memref_slice %arg6[%dma_wait3A_138, %dma_wait3A_139, %dma_wait3A_140] : memref<4x800x32xf32, #tpu.memory_space<vmem>> -> memref<1x800x32xf32, #tpu.memory_space<vmem>>
    %dma_wait3A_142 = tpu.memref_squeeze %dma_wait3A_141 : memref<1x800x32xf32, #tpu.memory_space<vmem>> -> memref<800x32xf32, #tpu.memory_space<vmem>>
    %dma_wait3A_143 = arith.constant 0 : i32
    %dma_wait3A_144 = tpu.memref_slice %arg5[%dma_wait3A_137, %dma_wait3A_143] : memref<4x800xi32, #tpu.memory_space<vmem>> -> memref<1x800xi32, #tpu.memory_space<vmem>>
    %dma_wait3A_145 = tpu.memref_squeeze %dma_wait3A_144 : memref<1x800xi32, #tpu.memory_space<vmem>> -> memref<800xi32, #tpu.memory_space<vmem>>
    %dma_wait3A_146 = arith.constant 0 : i32
    %dma_wait3A_147 = arith.constant 0 : i32
    %dma_wait3A_148 = tpu.memref_slice %arg2[%dma_wait3A_146, %dma_wait3A_147] : memref<100000x32xf32, #tpu.memory_space<hbm>> -> memref<100000x32xf32, #tpu.memory_space<hbm>>
    tpu.wait_indirect_dma semaphore(%arg11 : memref<!tpu.dma_semaphore, #tpu.memory_space<semaphore_mem>>) src(%dma_wait3A_148 : memref<100000x32xf32, #tpu.memory_space<hbm>>) dst(%dma_wait3A_142 : memref<800x32xf32, #tpu.memory_space<vmem>>)
    %add3A_149 = arith.constant 0 : i32
    %add3A_150 = arith.addi %mul3A_2, %add3A_149 : i32
    %dma_start3A_151 = arith.constant 0 : i32
    %dma_start3A_152 = arith.constant 0 : i32
    %dma_start3A_153 = arith.constant 0 : i32
    %dma_start3A_154 = tpu.memref_slice %arg6[%dma_start3A_151, %dma_start3A_152, %dma_start3A_153] : memref<4x800x32xf32, #tpu.memory_space<vmem>> -> memref<1x800x32xf32, #tpu.memory_space<vmem>>
    %dma_start3A_155 = tpu.memref_squeeze %dma_start3A_154 : memref<1x800x32xf32, #tpu.memory_space<vmem>> -> memref<800x32xf32, #tpu.memory_space<vmem>>
    %dma_start3A_156 = arith.constant 0 : i32
    %dma_start3A_157 = tpu.memref_slice %arg4[%add3A_150, %dma_start3A_156] : memref<3276800x32xf32, #tpu.memory_space<hbm>> -> memref<800x32xf32, #tpu.memory_space<hbm>>
    %dma_start3A_158 = arith.constant 0 : i32
    %dma_start3A_159 = tpu.memref_slice %arg4[%add3A_150, %dma_start3A_158] : memref<3276800x32xf32, #tpu.memory_space<hbm>> -> memref<800x32xf32, #tpu.memory_space<hbm>>
    %dma_start3A_160 = arith.constant 0 : i32
    %dma_start3A_161 = arith.constant 0 : i32
    %dma_start3A_162 = tpu.memref_slice %arg6[%dma_start3A_151, %dma_start3A_160, %dma_start3A_161] : memref<4x800x32xf32, #tpu.memory_space<vmem>> -> memref<1x800x32xf32, #tpu.memory_space<vmem>>
    %dma_start3A_163 = tpu.memref_squeeze %dma_start3A_162 : memref<1x800x32xf32, #tpu.memory_space<vmem>> -> memref<800x32xf32, #tpu.memory_space<vmem>>
    tpu.enqueue_dma source(%dma_start3A_163 : memref<800x32xf32, #tpu.memory_space<vmem>>) target(%dma_start3A_159 : memref<800x32xf32, #tpu.memory_space<hbm>>) target_semaphore(%arg15 : memref<!tpu.dma_semaphore, #tpu.memory_space<semaphore_mem>>)
    %add3A_164 = arith.constant 3200 : i32
    %add3A_165 = arith.addi %mul3A_2, %add3A_164 : i32
    %dma_start3A_166 = arith.constant 0 : i32
    %dma_start3A_167 = arith.constant 0 : i32
    %dma_start3A_168 = tpu.memref_slice %arg5[%dma_start3A_166, %dma_start3A_167] : memref<4x800xi32, #tpu.memory_space<vmem>> -> memref<1x800xi32, #tpu.memory_space<vmem>>
    %dma_start3A_169 = tpu.memref_squeeze %dma_start3A_168 : memref<1x800xi32, #tpu.memory_space<vmem>> -> memref<800xi32, #tpu.memory_space<vmem>>
    %dma_start3A_170 = tpu.memref_slice %arg3[%add3A_165] : memref<3276800xi32, #tpu.memory_space<hbm>> -> memref<800xi32, #tpu.memory_space<hbm>>
    %dma_start3A_171 = arith.constant 0 : i32
    %dma_start3A_172 = tpu.memref_slice %arg5[%dma_start3A_166, %dma_start3A_171] : memref<4x800xi32, #tpu.memory_space<vmem>> -> memref<1x800xi32, #tpu.memory_space<vmem>>
    %dma_start3A_173 = tpu.memref_squeeze %dma_start3A_172 : memref<1x800xi32, #tpu.memory_space<vmem>> -> memref<800xi32, #tpu.memory_space<vmem>>
    %dma_start3A_174 = tpu.memref_slice %arg3[%add3A_165] : memref<3276800xi32, #tpu.memory_space<hbm>> -> memref<800xi32, #tpu.memory_space<hbm>>
    tpu.enqueue_dma source(%dma_start3A_174 : memref<800xi32, #tpu.memory_space<hbm>>) target(%dma_start3A_173 : memref<800xi32, #tpu.memory_space<vmem>>) target_semaphore(%arg7 : memref<!tpu.dma_semaphore, #tpu.memory_space<semaphore_mem>>)
    %dma_wait3A_175 = arith.constant 1 : i32
    %dma_wait3A_176 = arith.constant 1 : i32
    %dma_wait3A_177 = arith.constant 0 : i32
    %dma_wait3A_178 = arith.constant 0 : i32
    %dma_wait3A_179 = tpu.memref_slice %arg6[%dma_wait3A_176, %dma_wait3A_177, %dma_wait3A_178] : memref<4x800x32xf32, #tpu.memory_space<vmem>> -> memref<1x800x32xf32, #tpu.memory_space<vmem>>
    %dma_wait3A_180 = tpu.memref_squeeze %dma_wait3A_179 : memref<1x800x32xf32, #tpu.memory_space<vmem>> -> memref<800x32xf32, #tpu.memory_space<vmem>>
    %dma_wait3A_181 = arith.constant 0 : i32
    %dma_wait3A_182 = tpu.memref_slice %arg5[%dma_wait3A_175, %dma_wait3A_181] : memref<4x800xi32, #tpu.memory_space<vmem>> -> memref<1x800xi32, #tpu.memory_space<vmem>>
    %dma_wait3A_183 = tpu.memref_squeeze %dma_wait3A_182 : memref<1x800xi32, #tpu.memory_space<vmem>> -> memref<800xi32, #tpu.memory_space<vmem>>
    %dma_wait3A_184 = arith.constant 0 : i32
    %dma_wait3A_185 = arith.constant 0 : i32
    %dma_wait3A_186 = tpu.memref_slice %arg2[%dma_wait3A_184, %dma_wait3A_185] : memref<100000x32xf32, #tpu.memory_space<hbm>> -> memref<100000x32xf32, #tpu.memory_space<hbm>>
    tpu.wait_indirect_dma semaphore(%arg12 : memref<!tpu.dma_semaphore, #tpu.memory_space<semaphore_mem>>) src(%dma_wait3A_186 : memref<100000x32xf32, #tpu.memory_space<hbm>>) dst(%dma_wait3A_180 : memref<800x32xf32, #tpu.memory_space<vmem>>)
    %add3A_187 = arith.constant 800 : i32
    %add3A_188 = arith.addi %mul3A_2, %add3A_187 : i32
    %dma_start3A_189 = arith.constant 1 : i32
    %dma_start3A_190 = arith.constant 0 : i32
    %dma_start3A_191 = arith.constant 0 : i32
    %dma_start3A_192 = tpu.memref_slice %arg6[%dma_start3A_189, %dma_start3A_190, %dma_start3A_191] : memref<4x800x32xf32, #tpu.memory_space<vmem>> -> memref<1x800x32xf32, #tpu.memory_space<vmem>>
    %dma_start3A_193 = tpu.memref_squeeze %dma_start3A_192 : memref<1x800x32xf32, #tpu.memory_space<vmem>> -> memref<800x32xf32, #tpu.memory_space<vmem>>
    %dma_start3A_194 = arith.constant 0 : i32
    %dma_start3A_195 = tpu.memref_slice %arg4[%add3A_188, %dma_start3A_194] : memref<3276800x32xf32, #tpu.memory_space<hbm>> -> memref<800x32xf32, #tpu.memory_space<hbm>>
    %dma_start3A_196 = arith.constant 0 : i32
    %dma_start3A_197 = tpu.memref_slice %arg4[%add3A_188, %dma_start3A_196] : memref<3276800x32xf32, #tpu.memory_space<hbm>> -> memref<800x32xf32, #tpu.memory_space<hbm>>
    %dma_start3A_198 = arith.constant 0 : i32
    %dma_start3A_199 = arith.constant 0 : i32
    %dma_start3A_200 = tpu.memref_slice %arg6[%dma_start3A_189, %dma_start3A_198, %dma_start3A_199] : memref<4x800x32xf32, #tpu.memory_space<vmem>> -> memref<1x800x32xf32, #tpu.memory_space<vmem>>
    %dma_start3A_201 = tpu.memref_squeeze %dma_start3A_200 : memref<1x800x32xf32, #tpu.memory_space<vmem>> -> memref<800x32xf32, #tpu.memory_space<vmem>>
    tpu.enqueue_dma source(%dma_start3A_201 : memref<800x32xf32, #tpu.memory_space<vmem>>) target(%dma_start3A_197 : memref<800x32xf32, #tpu.memory_space<hbm>>) target_semaphore(%arg16 : memref<!tpu.dma_semaphore, #tpu.memory_space<semaphore_mem>>)
    %add3A_202 = arith.constant 4000 : i32
    %add3A_203 = arith.addi %mul3A_2, %add3A_202 : i32
    %dma_start3A_204 = arith.constant 1 : i32
    %dma_start3A_205 = arith.constant 0 : i32
    %dma_start3A_206 = tpu.memref_slice %arg5[%dma_start3A_204, %dma_start3A_205] : memref<4x800xi32, #tpu.memory_space<vmem>> -> memref<1x800xi32, #tpu.memory_space<vmem>>
    %dma_start3A_207 = tpu.memref_squeeze %dma_start3A_206 : memref<1x800xi32, #tpu.memory_space<vmem>> -> memref<800xi32, #tpu.memory_space<vmem>>
    %dma_start3A_208 = tpu.memref_slice %arg3[%add3A_203] : memref<3276800xi32, #tpu.memory_space<hbm>> -> memref<800xi32, #tpu.memory_space<hbm>>
    %dma_start3A_209 = arith.constant 0 : i32
    %dma_start3A_210 = tpu.memref_slice %arg5[%dma_start3A_204, %dma_start3A_209] : memref<4x800xi32, #tpu.memory_space<vmem>> -> memref<1x800xi32, #tpu.memory_space<vmem>>
    %dma_start3A_211 = tpu.memref_squeeze %dma_start3A_210 : memref<1x800xi32, #tpu.memory_space<vmem>> -> memref<800xi32, #tpu.memory_space<vmem>>
    %dma_start3A_212 = tpu.memref_slice %arg3[%add3A_203] : memref<3276800xi32, #tpu.memory_space<hbm>> -> memref<800xi32, #tpu.memory_space<hbm>>
    tpu.enqueue_dma source(%dma_start3A_212 : memref<800xi32, #tpu.memory_space<hbm>>) target(%dma_start3A_211 : memref<800xi32, #tpu.memory_space<vmem>>) target_semaphore(%arg8 : memref<!tpu.dma_semaphore, #tpu.memory_space<semaphore_mem>>)
    %dma_wait3A_213 = arith.constant 2 : i32
    %dma_wait3A_214 = arith.constant 2 : i32
    %dma_wait3A_215 = arith.constant 0 : i32
    %dma_wait3A_216 = arith.constant 0 : i32
    %dma_wait3A_217 = tpu.memref_slice %arg6[%dma_wait3A_214, %dma_wait3A_215, %dma_wait3A_216] : memref<4x800x32xf32, #tpu.memory_space<vmem>> -> memref<1x800x32xf32, #tpu.memory_space<vmem>>
    %dma_wait3A_218 = tpu.memref_squeeze %dma_wait3A_217 : memref<1x800x32xf32, #tpu.memory_space<vmem>> -> memref<800x32xf32, #tpu.memory_space<vmem>>
    %dma_wait3A_219 = arith.constant 0 : i32
    %dma_wait3A_220 = tpu.memref_slice %arg5[%dma_wait3A_213, %dma_wait3A_219] : memref<4x800xi32, #tpu.memory_space<vmem>> -> memref<1x800xi32, #tpu.memory_space<vmem>>
    %dma_wait3A_221 = tpu.memref_squeeze %dma_wait3A_220 : memref<1x800xi32, #tpu.memory_space<vmem>> -> memref<800xi32, #tpu.memory_space<vmem>>
    %dma_wait3A_222 = arith.constant 0 : i32
    %dma_wait3A_223 = arith.constant 0 : i32
    %dma_wait3A_224 = tpu.memref_slice %arg2[%dma_wait3A_222, %dma_wait3A_223] : memref<100000x32xf32, #tpu.memory_space<hbm>> -> memref<100000x32xf32, #tpu.memory_space<hbm>>
    tpu.wait_indirect_dma semaphore(%arg13 : memref<!tpu.dma_semaphore, #tpu.memory_space<semaphore_mem>>) src(%dma_wait3A_224 : memref<100000x32xf32, #tpu.memory_space<hbm>>) dst(%dma_wait3A_218 : memref<800x32xf32, #tpu.memory_space<vmem>>)
    %add3A_225 = arith.constant 1600 : i32
    %add3A_226 = arith.addi %mul3A_2, %add3A_225 : i32
    %dma_start3A_227 = arith.constant 2 : i32
    %dma_start3A_228 = arith.constant 0 : i32
    %dma_start3A_229 = arith.constant 0 : i32
    %dma_start3A_230 = tpu.memref_slice %arg6[%dma_start3A_227, %dma_start3A_228, %dma_start3A_229] : memref<4x800x32xf32, #tpu.memory_space<vmem>> -> memref<1x800x32xf32, #tpu.memory_space<vmem>>
    %dma_start3A_231 = tpu.memref_squeeze %dma_start3A_230 : memref<1x800x32xf32, #tpu.memory_space<vmem>> -> memref<800x32xf32, #tpu.memory_space<vmem>>
    %dma_start3A_232 = arith.constant 0 : i32
    %dma_start3A_233 = tpu.memref_slice %arg4[%add3A_226, %dma_start3A_232] : memref<3276800x32xf32, #tpu.memory_space<hbm>> -> memref<800x32xf32, #tpu.memory_space<hbm>>
    %dma_start3A_234 = arith.constant 0 : i32
    %dma_start3A_235 = tpu.memref_slice %arg4[%add3A_226, %dma_start3A_234] : memref<3276800x32xf32, #tpu.memory_space<hbm>> -> memref<800x32xf32, #tpu.memory_space<hbm>>
    %dma_start3A_236 = arith.constant 0 : i32
    %dma_start3A_237 = arith.constant 0 : i32
    %dma_start3A_238 = tpu.memref_slice %arg6[%dma_start3A_227, %dma_start3A_236, %dma_start3A_237] : memref<4x800x32xf32, #tpu.memory_space<vmem>> -> memref<1x800x32xf32, #tpu.memory_space<vmem>>
    %dma_start3A_239 = tpu.memref_squeeze %dma_start3A_238 : memref<1x800x32xf32, #tpu.memory_space<vmem>> -> memref<800x32xf32, #tpu.memory_space<vmem>>
    tpu.enqueue_dma source(%dma_start3A_239 : memref<800x32xf32, #tpu.memory_space<vmem>>) target(%dma_start3A_235 : memref<800x32xf32, #tpu.memory_space<hbm>>) target_semaphore(%arg17 : memref<!tpu.dma_semaphore, #tpu.memory_space<semaphore_mem>>)
    %add3A_240 = arith.constant 4800 : i32
    %add3A_241 = arith.addi %mul3A_2, %add3A_240 : i32
    %dma_start3A_242 = arith.constant 2 : i32
    %dma_start3A_243 = arith.constant 0 : i32
    %dma_start3A_244 = tpu.memref_slice %arg5[%dma_start3A_242, %dma_start3A_243] : memref<4x800xi32, #tpu.memory_space<vmem>> -> memref<1x800xi32, #tpu.memory_space<vmem>>
    %dma_start3A_245 = tpu.memref_squeeze %dma_start3A_244 : memref<1x800xi32, #tpu.memory_space<vmem>> -> memref<800xi32, #tpu.memory_space<vmem>>
    %dma_start3A_246 = tpu.memref_slice %arg3[%add3A_241] : memref<3276800xi32, #tpu.memory_space<hbm>> -> memref<800xi32, #tpu.memory_space<hbm>>
    %dma_start3A_247 = arith.constant 0 : i32
    %dma_start3A_248 = tpu.memref_slice %arg5[%dma_start3A_242, %dma_start3A_247] : memref<4x800xi32, #tpu.memory_space<vmem>> -> memref<1x800xi32, #tpu.memory_space<vmem>>
    %dma_start3A_249 = tpu.memref_squeeze %dma_start3A_248 : memref<1x800xi32, #tpu.memory_space<vmem>> -> memref<800xi32, #tpu.memory_space<vmem>>
    %dma_start3A_250 = tpu.memref_slice %arg3[%add3A_241] : memref<3276800xi32, #tpu.memory_space<hbm>> -> memref<800xi32, #tpu.memory_space<hbm>>
    tpu.enqueue_dma source(%dma_start3A_250 : memref<800xi32, #tpu.memory_space<hbm>>) target(%dma_start3A_249 : memref<800xi32, #tpu.memory_space<vmem>>) target_semaphore(%arg9 : memref<!tpu.dma_semaphore, #tpu.memory_space<semaphore_mem>>)
    %dma_wait3A_251 = arith.constant 3 : i32
    %dma_wait3A_252 = arith.constant 3 : i32
    %dma_wait3A_253 = arith.constant 0 : i32
    %dma_wait3A_254 = arith.constant 0 : i32
    %dma_wait3A_255 = tpu.memref_slice %arg6[%dma_wait3A_252, %dma_wait3A_253, %dma_wait3A_254] : memref<4x800x32xf32, #tpu.memory_space<vmem>> -> memref<1x800x32xf32, #tpu.memory_space<vmem>>
    %dma_wait3A_256 = tpu.memref_squeeze %dma_wait3A_255 : memref<1x800x32xf32, #tpu.memory_space<vmem>> -> memref<800x32xf32, #tpu.memory_space<vmem>>
    %dma_wait3A_257 = arith.constant 0 : i32
    %dma_wait3A_258 = tpu.memref_slice %arg5[%dma_wait3A_251, %dma_wait3A_257] : memref<4x800xi32, #tpu.memory_space<vmem>> -> memref<1x800xi32, #tpu.memory_space<vmem>>
    %dma_wait3A_259 = tpu.memref_squeeze %dma_wait3A_258 : memref<1x800xi32, #tpu.memory_space<vmem>> -> memref<800xi32, #tpu.memory_space<vmem>>
    %dma_wait3A_260 = arith.constant 0 : i32
    %dma_wait3A_261 = arith.constant 0 : i32
    %dma_wait3A_262 = tpu.memref_slice %arg2[%dma_wait3A_260, %dma_wait3A_261] : memref<100000x32xf32, #tpu.memory_space<hbm>> -> memref<100000x32xf32, #tpu.memory_space<hbm>>
    tpu.wait_indirect_dma semaphore(%arg14 : memref<!tpu.dma_semaphore, #tpu.memory_space<semaphore_mem>>) src(%dma_wait3A_262 : memref<100000x32xf32, #tpu.memory_space<hbm>>) dst(%dma_wait3A_256 : memref<800x32xf32, #tpu.memory_space<vmem>>)
    %add3A_263 = arith.constant 2400 : i32
    %add3A_264 = arith.addi %mul3A_2, %add3A_263 : i32
    %dma_start3A_265 = arith.constant 3 : i32
    %dma_start3A_266 = arith.constant 0 : i32
    %dma_start3A_267 = arith.constant 0 : i32
    %dma_start3A_268 = tpu.memref_slice %arg6[%dma_start3A_265, %dma_start3A_266, %dma_start3A_267] : memref<4x800x32xf32, #tpu.memory_space<vmem>> -> memref<1x800x32xf32, #tpu.memory_space<vmem>>
    %dma_start3A_269 = tpu.memref_squeeze %dma_start3A_268 : memref<1x800x32xf32, #tpu.memory_space<vmem>> -> memref<800x32xf32, #tpu.memory_space<vmem>>
    %dma_start3A_270 = arith.constant 0 : i32
    %dma_start3A_271 = tpu.memref_slice %arg4[%add3A_264, %dma_start3A_270] : memref<3276800x32xf32, #tpu.memory_space<hbm>> -> memref<800x32xf32, #tpu.memory_space<hbm>>
    %dma_start3A_272 = arith.constant 0 : i32
    %dma_start3A_273 = tpu.memref_slice %arg4[%add3A_264, %dma_start3A_272] : memref<3276800x32xf32, #tpu.memory_space<hbm>> -> memref<800x32xf32, #tpu.memory_space<hbm>>
    %dma_start3A_274 = arith.constant 0 : i32
    %dma_start3A_275 = arith.constant 0 : i32
    %dma_start3A_276 = tpu.memref_slice %arg6[%dma_start3A_265, %dma_start3A_274, %dma_start3A_275] : memref<4x800x32xf32, #tpu.memory_space<vmem>> -> memref<1x800x32xf32, #tpu.memory_space<vmem>>
    %dma_start3A_277 = tpu.memref_squeeze %dma_start3A_276 : memref<1x800x32xf32, #tpu.memory_space<vmem>> -> memref<800x32xf32, #tpu.memory_space<vmem>>
    tpu.enqueue_dma source(%dma_start3A_277 : memref<800x32xf32, #tpu.memory_space<vmem>>) target(%dma_start3A_273 : memref<800x32xf32, #tpu.memory_space<hbm>>) target_semaphore(%arg18 : memref<!tpu.dma_semaphore, #tpu.memory_space<semaphore_mem>>)
    %add3A_278 = arith.constant 5600 : i32
    %add3A_279 = arith.addi %mul3A_2, %add3A_278 : i32
    %dma_start3A_280 = arith.constant 3 : i32
    %dma_start3A_281 = arith.constant 0 : i32
    %dma_start3A_282 = tpu.memref_slice %arg5[%dma_start3A_280, %dma_start3A_281] : memref<4x800xi32, #tpu.memory_space<vmem>> -> memref<1x800xi32, #tpu.memory_space<vmem>>
    %dma_start3A_283 = tpu.memref_squeeze %dma_start3A_282 : memref<1x800xi32, #tpu.memory_space<vmem>> -> memref<800xi32, #tpu.memory_space<vmem>>
    %dma_start3A_284 = tpu.memref_slice %arg3[%add3A_279] : memref<3276800xi32, #tpu.memory_space<hbm>> -> memref<800xi32, #tpu.memory_space<hbm>>
    %dma_start3A_285 = arith.constant 0 : i32
    %dma_start3A_286 = tpu.memref_slice %arg5[%dma_start3A_280, %dma_start3A_285] : memref<4x800xi32, #tpu.memory_space<vmem>> -> memref<1x800xi32, #tpu.memory_space<vmem>>
    %dma_start3A_287 = tpu.memref_squeeze %dma_start3A_286 : memref<1x800xi32, #tpu.memory_space<vmem>> -> memref<800xi32, #tpu.memory_space<vmem>>
    %dma_start3A_288 = tpu.memref_slice %arg3[%add3A_279] : memref<3276800xi32, #tpu.memory_space<hbm>> -> memref<800xi32, #tpu.memory_space<hbm>>
    tpu.enqueue_dma source(%dma_start3A_288 : memref<800xi32, #tpu.memory_space<hbm>>) target(%dma_start3A_287 : memref<800xi32, #tpu.memory_space<vmem>>) target_semaphore(%arg10 : memref<!tpu.dma_semaphore, #tpu.memory_space<semaphore_mem>>)
    %scan3A = arith.constant 0 : i32
    %scan3A_289 = arith.constant 1 : i32
    %scan3A_290 = arith.constant 30 : i32
    %scan3A_291 = arith.addi %scan3A_289, %scan3A_290 : i32
    %scan3A_292 = arith.constant 1 : i32
    scf.for %scan3A_614 = %scan3A_289 to %scan3A_291 step %scan3A_292  : i32 {
      %mul3A_615 = arith.constant 4 : i32
      %mul3A_616 = arith.muli %scan3A_614, %mul3A_615 : i32
      %sub3A = arith.constant 4 : i32
      %sub3A_617 = arith.subi %mul3A_616, %sub3A : i32
      %add3A_618 = arith.constant 0 : i32
      %add3A_619 = arith.addi %sub3A_617, %add3A_618 : i32
      %mul3A_620 = arith.constant 800 : i32
      %mul3A_621 = arith.muli %add3A_619, %mul3A_620 : i32
      %add3A_622 = arith.addi %mul3A_2, %mul3A_621 : i32
      %dma_wait3A_623 = arith.constant 0 : i32
      %dma_wait3A_624 = arith.constant 0 : i32
      %dma_wait3A_625 = arith.constant 0 : i32
      %dma_wait3A_626 = tpu.memref_slice %arg6[%dma_wait3A_623, %dma_wait3A_624, %dma_wait3A_625] : memref<4x800x32xf32, #tpu.memory_space<vmem>> -> memref<1x800x32xf32, #tpu.memory_space<vmem>>
      %dma_wait3A_627 = tpu.memref_squeeze %dma_wait3A_626 : memref<1x800x32xf32, #tpu.memory_space<vmem>> -> memref<800x32xf32, #tpu.memory_space<vmem>>
      %dma_wait3A_628 = arith.constant 0 : i32
      %dma_wait3A_629 = tpu.memref_slice %arg4[%add3A_622, %dma_wait3A_628] : memref<3276800x32xf32, #tpu.memory_space<hbm>> -> memref<800x32xf32, #tpu.memory_space<hbm>>
      %dma_wait3A_630 = arith.constant 0 : i32
      %dma_wait3A_631 = tpu.memref_slice %arg4[%add3A_622, %dma_wait3A_630] : memref<3276800x32xf32, #tpu.memory_space<hbm>> -> memref<800x32xf32, #tpu.memory_space<hbm>>
      %dma_wait3A_632 = arith.constant 0 : i32
      %dma_wait3A_633 = arith.constant 0 : i32
      %dma_wait3A_634 = tpu.memref_slice %arg6[%dma_wait3A_623, %dma_wait3A_632, %dma_wait3A_633] : memref<4x800x32xf32, #tpu.memory_space<vmem>> -> memref<1x800x32xf32, #tpu.memory_space<vmem>>
      %dma_wait3A_635 = tpu.memref_squeeze %dma_wait3A_634 : memref<1x800x32xf32, #tpu.memory_space<vmem>> -> memref<800x32xf32, #tpu.memory_space<vmem>>
      tpu.wait_dma2 semaphore(%arg15 : memref<!tpu.dma_semaphore, #tpu.memory_space<semaphore_mem>>) src(%dma_wait3A_635 : memref<800x32xf32, #tpu.memory_space<vmem>>) dst(%dma_wait3A_631 : memref<800x32xf32, #tpu.memory_space<hbm>>)
      %add3A_636 = arith.constant 0 : i32
      %add3A_637 = arith.addi %mul3A_616, %add3A_636 : i32
      %mul3A_638 = arith.constant 800 : i32
      %mul3A_639 = arith.muli %add3A_637, %mul3A_638 : i32
      %add3A_640 = arith.addi %mul3A_2, %mul3A_639 : i32
      %dma_wait3A_641 = arith.constant 0 : i32
      %dma_wait3A_642 = arith.constant 0 : i32
      %dma_wait3A_643 = tpu.memref_slice %arg5[%dma_wait3A_641, %dma_wait3A_642] : memref<4x800xi32, #tpu.memory_space<vmem>> -> memref<1x800xi32, #tpu.memory_space<vmem>>
      %dma_wait3A_644 = tpu.memref_squeeze %dma_wait3A_643 : memref<1x800xi32, #tpu.memory_space<vmem>> -> memref<800xi32, #tpu.memory_space<vmem>>
      %dma_wait3A_645 = tpu.memref_slice %arg3[%add3A_640] : memref<3276800xi32, #tpu.memory_space<hbm>> -> memref<800xi32, #tpu.memory_space<hbm>>
      %dma_wait3A_646 = arith.constant 0 : i32
      %dma_wait3A_647 = tpu.memref_slice %arg5[%dma_wait3A_641, %dma_wait3A_646] : memref<4x800xi32, #tpu.memory_space<vmem>> -> memref<1x800xi32, #tpu.memory_space<vmem>>
      %dma_wait3A_648 = tpu.memref_squeeze %dma_wait3A_647 : memref<1x800xi32, #tpu.memory_space<vmem>> -> memref<800xi32, #tpu.memory_space<vmem>>
      %dma_wait3A_649 = tpu.memref_slice %arg3[%add3A_640] : memref<3276800xi32, #tpu.memory_space<hbm>> -> memref<800xi32, #tpu.memory_space<hbm>>
      tpu.wait_dma2 semaphore(%arg7 : memref<!tpu.dma_semaphore, #tpu.memory_space<semaphore_mem>>) src(%dma_wait3A_649 : memref<800xi32, #tpu.memory_space<hbm>>) dst(%dma_wait3A_648 : memref<800xi32, #tpu.memory_space<vmem>>)
      %dma_start3A_650 = arith.constant 0 : i32
      %dma_start3A_651 = arith.constant 0 : i32
      %dma_start3A_652 = arith.constant 0 : i32
      %dma_start3A_653 = arith.constant 0 : i32
      %dma_start3A_654 = tpu.memref_slice %arg6[%dma_start3A_651, %dma_start3A_652, %dma_start3A_653] : memref<4x800x32xf32, #tpu.memory_space<vmem>> -> memref<1x800x32xf32, #tpu.memory_space<vmem>>
      %dma_start3A_655 = tpu.memref_squeeze %dma_start3A_654 : memref<1x800x32xf32, #tpu.memory_space<vmem>> -> memref<800x32xf32, #tpu.memory_space<vmem>>
      %dma_start3A_656 = arith.constant 0 : i32
      %dma_start3A_657 = tpu.memref_slice %arg5[%dma_start3A_650, %dma_start3A_656] : memref<4x800xi32, #tpu.memory_space<vmem>> -> memref<1x800xi32, #tpu.memory_space<vmem>>
      %dma_start3A_658 = tpu.memref_squeeze %dma_start3A_657 : memref<1x800xi32, #tpu.memory_space<vmem>> -> memref<800xi32, #tpu.memory_space<vmem>>
      %dma_start3A_659 = arith.constant 0 : i32
      %dma_start3A_660 = arith.constant 0 : i32
      %dma_start3A_661 = tpu.memref_slice %arg2[%dma_start3A_659, %dma_start3A_660] : memref<100000x32xf32, #tpu.memory_space<hbm>> -> memref<100000x32xf32, #tpu.memory_space<hbm>>
      tpu.enqueue_indirect_dma source(%dma_start3A_661 : memref<100000x32xf32, #tpu.memory_space<hbm>>) target(%dma_start3A_655 : memref<800x32xf32, #tpu.memory_space<vmem>>) offsets(%dma_start3A_658 : memref<800xi32, #tpu.memory_space<vmem>>) semaphore(%arg11 : memref<!tpu.dma_semaphore, #tpu.memory_space<semaphore_mem>>)
      %sub3A_662 = arith.constant 4 : i32
      %sub3A_663 = arith.subi %mul3A_616, %sub3A_662 : i32
      %add3A_664 = arith.constant 1 : i32
      %add3A_665 = arith.addi %sub3A_663, %add3A_664 : i32
      %mul3A_666 = arith.constant 800 : i32
      %mul3A_667 = arith.muli %add3A_665, %mul3A_666 : i32
      %add3A_668 = arith.addi %mul3A_2, %mul3A_667 : i32
      %dma_wait3A_669 = arith.constant 1 : i32
      %dma_wait3A_670 = arith.constant 0 : i32
      %dma_wait3A_671 = arith.constant 0 : i32
      %dma_wait3A_672 = tpu.memref_slice %arg6[%dma_wait3A_669, %dma_wait3A_670, %dma_wait3A_671] : memref<4x800x32xf32, #tpu.memory_space<vmem>> -> memref<1x800x32xf32, #tpu.memory_space<vmem>>
      %dma_wait3A_673 = tpu.memref_squeeze %dma_wait3A_672 : memref<1x800x32xf32, #tpu.memory_space<vmem>> -> memref<800x32xf32, #tpu.memory_space<vmem>>
      %dma_wait3A_674 = arith.constant 0 : i32
      %dma_wait3A_675 = tpu.memref_slice %arg4[%add3A_668, %dma_wait3A_674] : memref<3276800x32xf32, #tpu.memory_space<hbm>> -> memref<800x32xf32, #tpu.memory_space<hbm>>
      %dma_wait3A_676 = arith.constant 0 : i32
      %dma_wait3A_677 = tpu.memref_slice %arg4[%add3A_668, %dma_wait3A_676] : memref<3276800x32xf32, #tpu.memory_space<hbm>> -> memref<800x32xf32, #tpu.memory_space<hbm>>
      %dma_wait3A_678 = arith.constant 0 : i32
      %dma_wait3A_679 = arith.constant 0 : i32
      %dma_wait3A_680 = tpu.memref_slice %arg6[%dma_wait3A_669, %dma_wait3A_678, %dma_wait3A_679] : memref<4x800x32xf32, #tpu.memory_space<vmem>> -> memref<1x800x32xf32, #tpu.memory_space<vmem>>
      %dma_wait3A_681 = tpu.memref_squeeze %dma_wait3A_680 : memref<1x800x32xf32, #tpu.memory_space<vmem>> -> memref<800x32xf32, #tpu.memory_space<vmem>>
      tpu.wait_dma2 semaphore(%arg16 : memref<!tpu.dma_semaphore, #tpu.memory_space<semaphore_mem>>) src(%dma_wait3A_681 : memref<800x32xf32, #tpu.memory_space<vmem>>) dst(%dma_wait3A_677 : memref<800x32xf32, #tpu.memory_space<hbm>>)
      %add3A_682 = arith.constant 1 : i32
      %add3A_683 = arith.addi %mul3A_616, %add3A_682 : i32
      %mul3A_684 = arith.constant 800 : i32
      %mul3A_685 = arith.muli %add3A_683, %mul3A_684 : i32
      %add3A_686 = arith.addi %mul3A_2, %mul3A_685 : i32
      %dma_wait3A_687 = arith.constant 1 : i32
      %dma_wait3A_688 = arith.constant 0 : i32
      %dma_wait3A_689 = tpu.memref_slice %arg5[%dma_wait3A_687, %dma_wait3A_688] : memref<4x800xi32, #tpu.memory_space<vmem>> -> memref<1x800xi32, #tpu.memory_space<vmem>>
      %dma_wait3A_690 = tpu.memref_squeeze %dma_wait3A_689 : memref<1x800xi32, #tpu.memory_space<vmem>> -> memref<800xi32, #tpu.memory_space<vmem>>
      %dma_wait3A_691 = tpu.memref_slice %arg3[%add3A_686] : memref<3276800xi32, #tpu.memory_space<hbm>> -> memref<800xi32, #tpu.memory_space<hbm>>
      %dma_wait3A_692 = arith.constant 0 : i32
      %dma_wait3A_693 = tpu.memref_slice %arg5[%dma_wait3A_687, %dma_wait3A_692] : memref<4x800xi32, #tpu.memory_space<vmem>> -> memref<1x800xi32, #tpu.memory_space<vmem>>
      %dma_wait3A_694 = tpu.memref_squeeze %dma_wait3A_693 : memref<1x800xi32, #tpu.memory_space<vmem>> -> memref<800xi32, #tpu.memory_space<vmem>>
      %dma_wait3A_695 = tpu.memref_slice %arg3[%add3A_686] : memref<3276800xi32, #tpu.memory_space<hbm>> -> memref<800xi32, #tpu.memory_space<hbm>>
      tpu.wait_dma2 semaphore(%arg8 : memref<!tpu.dma_semaphore, #tpu.memory_space<semaphore_mem>>) src(%dma_wait3A_695 : memref<800xi32, #tpu.memory_space<hbm>>) dst(%dma_wait3A_694 : memref<800xi32, #tpu.memory_space<vmem>>)
      %dma_start3A_696 = arith.constant 1 : i32
      %dma_start3A_697 = arith.constant 1 : i32
      %dma_start3A_698 = arith.constant 0 : i32
      %dma_start3A_699 = arith.constant 0 : i32
      %dma_start3A_700 = tpu.memref_slice %arg6[%dma_start3A_697, %dma_start3A_698, %dma_start3A_699] : memref<4x800x32xf32, #tpu.memory_space<vmem>> -> memref<1x800x32xf32, #tpu.memory_space<vmem>>
      %dma_start3A_701 = tpu.memref_squeeze %dma_start3A_700 : memref<1x800x32xf32, #tpu.memory_space<vmem>> -> memref<800x32xf32, #tpu.memory_space<vmem>>
      %dma_start3A_702 = arith.constant 0 : i32
      %dma_start3A_703 = tpu.memref_slice %arg5[%dma_start3A_696, %dma_start3A_702] : memref<4x800xi32, #tpu.memory_space<vmem>> -> memref<1x800xi32, #tpu.memory_space<vmem>>
      %dma_start3A_704 = tpu.memref_squeeze %dma_start3A_703 : memref<1x800xi32, #tpu.memory_space<vmem>> -> memref<800xi32, #tpu.memory_space<vmem>>
      %dma_start3A_705 = arith.constant 0 : i32
      %dma_start3A_706 = arith.constant 0 : i32
      %dma_start3A_707 = tpu.memref_slice %arg2[%dma_start3A_705, %dma_start3A_706] : memref<100000x32xf32, #tpu.memory_space<hbm>> -> memref<100000x32xf32, #tpu.memory_space<hbm>>
      tpu.enqueue_indirect_dma source(%dma_start3A_707 : memref<100000x32xf32, #tpu.memory_space<hbm>>) target(%dma_start3A_701 : memref<800x32xf32, #tpu.memory_space<vmem>>) offsets(%dma_start3A_704 : memref<800xi32, #tpu.memory_space<vmem>>) semaphore(%arg12 : memref<!tpu.dma_semaphore, #tpu.memory_space<semaphore_mem>>)
      %sub3A_708 = arith.constant 4 : i32
      %sub3A_709 = arith.subi %mul3A_616, %sub3A_708 : i32
      %add3A_710 = arith.constant 2 : i32
      %add3A_711 = arith.addi %sub3A_709, %add3A_710 : i32
      %mul3A_712 = arith.constant 800 : i32
      %mul3A_713 = arith.muli %add3A_711, %mul3A_712 : i32
      %add3A_714 = arith.addi %mul3A_2, %mul3A_713 : i32
      %dma_wait3A_715 = arith.constant 2 : i32
      %dma_wait3A_716 = arith.constant 0 : i32
      %dma_wait3A_717 = arith.constant 0 : i32
      %dma_wait3A_718 = tpu.memref_slice %arg6[%dma_wait3A_715, %dma_wait3A_716, %dma_wait3A_717] : memref<4x800x32xf32, #tpu.memory_space<vmem>> -> memref<1x800x32xf32, #tpu.memory_space<vmem>>
      %dma_wait3A_719 = tpu.memref_squeeze %dma_wait3A_718 : memref<1x800x32xf32, #tpu.memory_space<vmem>> -> memref<800x32xf32, #tpu.memory_space<vmem>>
      %dma_wait3A_720 = arith.constant 0 : i32
      %dma_wait3A_721 = tpu.memref_slice %arg4[%add3A_714, %dma_wait3A_720] : memref<3276800x32xf32, #tpu.memory_space<hbm>> -> memref<800x32xf32, #tpu.memory_space<hbm>>
      %dma_wait3A_722 = arith.constant 0 : i32
      %dma_wait3A_723 = tpu.memref_slice %arg4[%add3A_714, %dma_wait3A_722] : memref<3276800x32xf32, #tpu.memory_space<hbm>> -> memref<800x32xf32, #tpu.memory_space<hbm>>
      %dma_wait3A_724 = arith.constant 0 : i32
      %dma_wait3A_725 = arith.constant 0 : i32
      %dma_wait3A_726 = tpu.memref_slice %arg6[%dma_wait3A_715, %dma_wait3A_724, %dma_wait3A_725] : memref<4x800x32xf32, #tpu.memory_space<vmem>> -> memref<1x800x32xf32, #tpu.memory_space<vmem>>
      %dma_wait3A_727 = tpu.memref_squeeze %dma_wait3A_726 : memref<1x800x32xf32, #tpu.memory_space<vmem>> -> memref<800x32xf32, #tpu.memory_space<vmem>>
      tpu.wait_dma2 semaphore(%arg17 : memref<!tpu.dma_semaphore, #tpu.memory_space<semaphore_mem>>) src(%dma_wait3A_727 : memref<800x32xf32, #tpu.memory_space<vmem>>) dst(%dma_wait3A_723 : memref<800x32xf32, #tpu.memory_space<hbm>>)
      %add3A_728 = arith.constant 2 : i32
      %add3A_729 = arith.addi %mul3A_616, %add3A_728 : i32
      %mul3A_730 = arith.constant 800 : i32
      %mul3A_731 = arith.muli %add3A_729, %mul3A_730 : i32
      %add3A_732 = arith.addi %mul3A_2, %mul3A_731 : i32
      %dma_wait3A_733 = arith.constant 2 : i32
      %dma_wait3A_734 = arith.constant 0 : i32
      %dma_wait3A_735 = tpu.memref_slice %arg5[%dma_wait3A_733, %dma_wait3A_734] : memref<4x800xi32, #tpu.memory_space<vmem>> -> memref<1x800xi32, #tpu.memory_space<vmem>>
      %dma_wait3A_736 = tpu.memref_squeeze %dma_wait3A_735 : memref<1x800xi32, #tpu.memory_space<vmem>> -> memref<800xi32, #tpu.memory_space<vmem>>
      %dma_wait3A_737 = tpu.memref_slice %arg3[%add3A_732] : memref<3276800xi32, #tpu.memory_space<hbm>> -> memref<800xi32, #tpu.memory_space<hbm>>
      %dma_wait3A_738 = arith.constant 0 : i32
      %dma_wait3A_739 = tpu.memref_slice %arg5[%dma_wait3A_733, %dma_wait3A_738] : memref<4x800xi32, #tpu.memory_space<vmem>> -> memref<1x800xi32, #tpu.memory_space<vmem>>
      %dma_wait3A_740 = tpu.memref_squeeze %dma_wait3A_739 : memref<1x800xi32, #tpu.memory_space<vmem>> -> memref<800xi32, #tpu.memory_space<vmem>>
      %dma_wait3A_741 = tpu.memref_slice %arg3[%add3A_732] : memref<3276800xi32, #tpu.memory_space<hbm>> -> memref<800xi32, #tpu.memory_space<hbm>>
      tpu.wait_dma2 semaphore(%arg9 : memref<!tpu.dma_semaphore, #tpu.memory_space<semaphore_mem>>) src(%dma_wait3A_741 : memref<800xi32, #tpu.memory_space<hbm>>) dst(%dma_wait3A_740 : memref<800xi32, #tpu.memory_space<vmem>>)
      %dma_start3A_742 = arith.constant 2 : i32
      %dma_start3A_743 = arith.constant 2 : i32
      %dma_start3A_744 = arith.constant 0 : i32
      %dma_start3A_745 = arith.constant 0 : i32
      %dma_start3A_746 = tpu.memref_slice %arg6[%dma_start3A_743, %dma_start3A_744, %dma_start3A_745] : memref<4x800x32xf32, #tpu.memory_space<vmem>> -> memref<1x800x32xf32, #tpu.memory_space<vmem>>
      %dma_start3A_747 = tpu.memref_squeeze %dma_start3A_746 : memref<1x800x32xf32, #tpu.memory_space<vmem>> -> memref<800x32xf32, #tpu.memory_space<vmem>>
      %dma_start3A_748 = arith.constant 0 : i32
      %dma_start3A_749 = tpu.memref_slice %arg5[%dma_start3A_742, %dma_start3A_748] : memref<4x800xi32, #tpu.memory_space<vmem>> -> memref<1x800xi32, #tpu.memory_space<vmem>>
      %dma_start3A_750 = tpu.memref_squeeze %dma_start3A_749 : memref<1x800xi32, #tpu.memory_space<vmem>> -> memref<800xi32, #tpu.memory_space<vmem>>
      %dma_start3A_751 = arith.constant 0 : i32
      %dma_start3A_752 = arith.constant 0 : i32
      %dma_start3A_753 = tpu.memref_slice %arg2[%dma_start3A_751, %dma_start3A_752] : memref<100000x32xf32, #tpu.memory_space<hbm>> -> memref<100000x32xf32, #tpu.memory_space<hbm>>
      tpu.enqueue_indirect_dma source(%dma_start3A_753 : memref<100000x32xf32, #tpu.memory_space<hbm>>) target(%dma_start3A_747 : memref<800x32xf32, #tpu.memory_space<vmem>>) offsets(%dma_start3A_750 : memref<800xi32, #tpu.memory_space<vmem>>) semaphore(%arg13 : memref<!tpu.dma_semaphore, #tpu.memory_space<semaphore_mem>>)
      %sub3A_754 = arith.constant 4 : i32
      %sub3A_755 = arith.subi %mul3A_616, %sub3A_754 : i32
      %add3A_756 = arith.constant 3 : i32
      %add3A_757 = arith.addi %sub3A_755, %add3A_756 : i32
      %mul3A_758 = arith.constant 800 : i32
      %mul3A_759 = arith.muli %add3A_757, %mul3A_758 : i32
      %add3A_760 = arith.addi %mul3A_2, %mul3A_759 : i32
      %dma_wait3A_761 = arith.constant 3 : i32
      %dma_wait3A_762 = arith.constant 0 : i32
      %dma_wait3A_763 = arith.constant 0 : i32
      %dma_wait3A_764 = tpu.memref_slice %arg6[%dma_wait3A_761, %dma_wait3A_762, %dma_wait3A_763] : memref<4x800x32xf32, #tpu.memory_space<vmem>> -> memref<1x800x32xf32, #tpu.memory_space<vmem>>
      %dma_wait3A_765 = tpu.memref_squeeze %dma_wait3A_764 : memref<1x800x32xf32, #tpu.memory_space<vmem>> -> memref<800x32xf32, #tpu.memory_space<vmem>>
      %dma_wait3A_766 = arith.constant 0 : i32
      %dma_wait3A_767 = tpu.memref_slice %arg4[%add3A_760, %dma_wait3A_766] : memref<3276800x32xf32, #tpu.memory_space<hbm>> -> memref<800x32xf32, #tpu.memory_space<hbm>>
      %dma_wait3A_768 = arith.constant 0 : i32
      %dma_wait3A_769 = tpu.memref_slice %arg4[%add3A_760, %dma_wait3A_768] : memref<3276800x32xf32, #tpu.memory_space<hbm>> -> memref<800x32xf32, #tpu.memory_space<hbm>>
      %dma_wait3A_770 = arith.constant 0 : i32
      %dma_wait3A_771 = arith.constant 0 : i32
      %dma_wait3A_772 = tpu.memref_slice %arg6[%dma_wait3A_761, %dma_wait3A_770, %dma_wait3A_771] : memref<4x800x32xf32, #tpu.memory_space<vmem>> -> memref<1x800x32xf32, #tpu.memory_space<vmem>>
      %dma_wait3A_773 = tpu.memref_squeeze %dma_wait3A_772 : memref<1x800x32xf32, #tpu.memory_space<vmem>> -> memref<800x32xf32, #tpu.memory_space<vmem>>
      tpu.wait_dma2 semaphore(%arg18 : memref<!tpu.dma_semaphore, #tpu.memory_space<semaphore_mem>>) src(%dma_wait3A_773 : memref<800x32xf32, #tpu.memory_space<vmem>>) dst(%dma_wait3A_769 : memref<800x32xf32, #tpu.memory_space<hbm>>)
      %add3A_774 = arith.constant 3 : i32
      %add3A_775 = arith.addi %mul3A_616, %add3A_774 : i32
      %mul3A_776 = arith.constant 800 : i32
      %mul3A_777 = arith.muli %add3A_775, %mul3A_776 : i32
      %add3A_778 = arith.addi %mul3A_2, %mul3A_777 : i32
      %dma_wait3A_779 = arith.constant 3 : i32
      %dma_wait3A_780 = arith.constant 0 : i32
      %dma_wait3A_781 = tpu.memref_slice %arg5[%dma_wait3A_779, %dma_wait3A_780] : memref<4x800xi32, #tpu.memory_space<vmem>> -> memref<1x800xi32, #tpu.memory_space<vmem>>
      %dma_wait3A_782 = tpu.memref_squeeze %dma_wait3A_781 : memref<1x800xi32, #tpu.memory_space<vmem>> -> memref<800xi32, #tpu.memory_space<vmem>>
      %dma_wait3A_783 = tpu.memref_slice %arg3[%add3A_778] : memref<3276800xi32, #tpu.memory_space<hbm>> -> memref<800xi32, #tpu.memory_space<hbm>>
      %dma_wait3A_784 = arith.constant 0 : i32
      %dma_wait3A_785 = tpu.memref_slice %arg5[%dma_wait3A_779, %dma_wait3A_784] : memref<4x800xi32, #tpu.memory_space<vmem>> -> memref<1x800xi32, #tpu.memory_space<vmem>>
      %dma_wait3A_786 = tpu.memref_squeeze %dma_wait3A_785 : memref<1x800xi32, #tpu.memory_space<vmem>> -> memref<800xi32, #tpu.memory_space<vmem>>
      %dma_wait3A_787 = tpu.memref_slice %arg3[%add3A_778] : memref<3276800xi32, #tpu.memory_space<hbm>> -> memref<800xi32, #tpu.memory_space<hbm>>
      tpu.wait_dma2 semaphore(%arg10 : memref<!tpu.dma_semaphore, #tpu.memory_space<semaphore_mem>>) src(%dma_wait3A_787 : memref<800xi32, #tpu.memory_space<hbm>>) dst(%dma_wait3A_786 : memref<800xi32, #tpu.memory_space<vmem>>)
      %dma_start3A_788 = arith.constant 3 : i32
      %dma_start3A_789 = arith.constant 3 : i32
      %dma_start3A_790 = arith.constant 0 : i32
      %dma_start3A_791 = arith.constant 0 : i32
      %dma_start3A_792 = tpu.memref_slice %arg6[%dma_start3A_789, %dma_start3A_790, %dma_start3A_791] : memref<4x800x32xf32, #tpu.memory_space<vmem>> -> memref<1x800x32xf32, #tpu.memory_space<vmem>>
      %dma_start3A_793 = tpu.memref_squeeze %dma_start3A_792 : memref<1x800x32xf32, #tpu.memory_space<vmem>> -> memref<800x32xf32, #tpu.memory_space<vmem>>
      %dma_start3A_794 = arith.constant 0 : i32
      %dma_start3A_795 = tpu.memref_slice %arg5[%dma_start3A_788, %dma_start3A_794] : memref<4x800xi32, #tpu.memory_space<vmem>> -> memref<1x800xi32, #tpu.memory_space<vmem>>
      %dma_start3A_796 = tpu.memref_squeeze %dma_start3A_795 : memref<1x800xi32, #tpu.memory_space<vmem>> -> memref<800xi32, #tpu.memory_space<vmem>>
      %dma_start3A_797 = arith.constant 0 : i32
      %dma_start3A_798 = arith.constant 0 : i32
      %dma_start3A_799 = tpu.memref_slice %arg2[%dma_start3A_797, %dma_start3A_798] : memref<100000x32xf32, #tpu.memory_space<hbm>> -> memref<100000x32xf32, #tpu.memory_space<hbm>>
      tpu.enqueue_indirect_dma source(%dma_start3A_799 : memref<100000x32xf32, #tpu.memory_space<hbm>>) target(%dma_start3A_793 : memref<800x32xf32, #tpu.memory_space<vmem>>) offsets(%dma_start3A_796 : memref<800xi32, #tpu.memory_space<vmem>>) semaphore(%arg14 : memref<!tpu.dma_semaphore, #tpu.memory_space<semaphore_mem>>)
      %dma_wait3A_800 = arith.constant 0 : i32
      %dma_wait3A_801 = arith.constant 0 : i32
      %dma_wait3A_802 = arith.constant 0 : i32
      %dma_wait3A_803 = arith.constant 0 : i32
      %dma_wait3A_804 = tpu.memref_slice %arg6[%dma_wait3A_801, %dma_wait3A_802, %dma_wait3A_803] : memref<4x800x32xf32, #tpu.memory_space<vmem>> -> memref<1x800x32xf32, #tpu.memory_space<vmem>>
      %dma_wait3A_805 = tpu.memref_squeeze %dma_wait3A_804 : memref<1x800x32xf32, #tpu.memory_space<vmem>> -> memref<800x32xf32, #tpu.memory_space<vmem>>
      %dma_wait3A_806 = arith.constant 0 : i32
      %dma_wait3A_807 = tpu.memref_slice %arg5[%dma_wait3A_800, %dma_wait3A_806] : memref<4x800xi32, #tpu.memory_space<vmem>> -> memref<1x800xi32, #tpu.memory_space<vmem>>
      %dma_wait3A_808 = tpu.memref_squeeze %dma_wait3A_807 : memref<1x800xi32, #tpu.memory_space<vmem>> -> memref<800xi32, #tpu.memory_space<vmem>>
      %dma_wait3A_809 = arith.constant 0 : i32
      %dma_wait3A_810 = arith.constant 0 : i32
      %dma_wait3A_811 = tpu.memref_slice %arg2[%dma_wait3A_809, %dma_wait3A_810] : memref<100000x32xf32, #tpu.memory_space<hbm>> -> memref<100000x32xf32, #tpu.memory_space<hbm>>
      tpu.wait_indirect_dma semaphore(%arg11 : memref<!tpu.dma_semaphore, #tpu.memory_space<semaphore_mem>>) src(%dma_wait3A_811 : memref<100000x32xf32, #tpu.memory_space<hbm>>) dst(%dma_wait3A_805 : memref<800x32xf32, #tpu.memory_space<vmem>>)
      %add3A_812 = arith.constant 0 : i32
      %add3A_813 = arith.addi %mul3A_616, %add3A_812 : i32
      %mul3A_814 = arith.constant 800 : i32
      %mul3A_815 = arith.muli %add3A_813, %mul3A_814 : i32
      %add3A_816 = arith.addi %mul3A_2, %mul3A_815 : i32
      %dma_start3A_817 = arith.constant 0 : i32
      %dma_start3A_818 = arith.constant 0 : i32
      %dma_start3A_819 = arith.constant 0 : i32
      %dma_start3A_820 = tpu.memref_slice %arg6[%dma_start3A_817, %dma_start3A_818, %dma_start3A_819] : memref<4x800x32xf32, #tpu.memory_space<vmem>> -> memref<1x800x32xf32, #tpu.memory_space<vmem>>
      %dma_start3A_821 = tpu.memref_squeeze %dma_start3A_820 : memref<1x800x32xf32, #tpu.memory_space<vmem>> -> memref<800x32xf32, #tpu.memory_space<vmem>>
      %dma_start3A_822 = arith.constant 0 : i32
      %dma_start3A_823 = tpu.memref_slice %arg4[%add3A_816, %dma_start3A_822] : memref<3276800x32xf32, #tpu.memory_space<hbm>> -> memref<800x32xf32, #tpu.memory_space<hbm>>
      %dma_start3A_824 = arith.constant 0 : i32
      %dma_start3A_825 = tpu.memref_slice %arg4[%add3A_816, %dma_start3A_824] : memref<3276800x32xf32, #tpu.memory_space<hbm>> -> memref<800x32xf32, #tpu.memory_space<hbm>>
      %dma_start3A_826 = arith.constant 0 : i32
      %dma_start3A_827 = arith.constant 0 : i32
      %dma_start3A_828 = tpu.memref_slice %arg6[%dma_start3A_817, %dma_start3A_826, %dma_start3A_827] : memref<4x800x32xf32, #tpu.memory_space<vmem>> -> memref<1x800x32xf32, #tpu.memory_space<vmem>>
      %dma_start3A_829 = tpu.memref_squeeze %dma_start3A_828 : memref<1x800x32xf32, #tpu.memory_space<vmem>> -> memref<800x32xf32, #tpu.memory_space<vmem>>
      tpu.enqueue_dma source(%dma_start3A_829 : memref<800x32xf32, #tpu.memory_space<vmem>>) target(%dma_start3A_825 : memref<800x32xf32, #tpu.memory_space<hbm>>) target_semaphore(%arg15 : memref<!tpu.dma_semaphore, #tpu.memory_space<semaphore_mem>>)
      %add3A_830 = arith.constant 4 : i32
      %add3A_831 = arith.addi %mul3A_616, %add3A_830 : i32
      %add3A_832 = arith.constant 0 : i32
      %add3A_833 = arith.addi %add3A_831, %add3A_832 : i32
      %mul3A_834 = arith.constant 800 : i32
      %mul3A_835 = arith.muli %add3A_833, %mul3A_834 : i32
      %add3A_836 = arith.addi %mul3A_2, %mul3A_835 : i32
      %dma_start3A_837 = arith.constant 0 : i32
      %dma_start3A_838 = arith.constant 0 : i32
      %dma_start3A_839 = tpu.memref_slice %arg5[%dma_start3A_837, %dma_start3A_838] : memref<4x800xi32, #tpu.memory_space<vmem>> -> memref<1x800xi32, #tpu.memory_space<vmem>>
      %dma_start3A_840 = tpu.memref_squeeze %dma_start3A_839 : memref<1x800xi32, #tpu.memory_space<vmem>> -> memref<800xi32, #tpu.memory_space<vmem>>
      %dma_start3A_841 = tpu.memref_slice %arg3[%add3A_836] : memref<3276800xi32, #tpu.memory_space<hbm>> -> memref<800xi32, #tpu.memory_space<hbm>>
      %dma_start3A_842 = arith.constant 0 : i32
      %dma_start3A_843 = tpu.memref_slice %arg5[%dma_start3A_837, %dma_start3A_842] : memref<4x800xi32, #tpu.memory_space<vmem>> -> memref<1x800xi32, #tpu.memory_space<vmem>>
      %dma_start3A_844 = tpu.memref_squeeze %dma_start3A_843 : memref<1x800xi32, #tpu.memory_space<vmem>> -> memref<800xi32, #tpu.memory_space<vmem>>
      %dma_start3A_845 = tpu.memref_slice %arg3[%add3A_836] : memref<3276800xi32, #tpu.memory_space<hbm>> -> memref<800xi32, #tpu.memory_space<hbm>>
      tpu.enqueue_dma source(%dma_start3A_845 : memref<800xi32, #tpu.memory_space<hbm>>) target(%dma_start3A_844 : memref<800xi32, #tpu.memory_space<vmem>>) target_semaphore(%arg7 : memref<!tpu.dma_semaphore, #tpu.memory_space<semaphore_mem>>)
      %dma_wait3A_846 = arith.constant 1 : i32
      %dma_wait3A_847 = arith.constant 1 : i32
      %dma_wait3A_848 = arith.constant 0 : i32
      %dma_wait3A_849 = arith.constant 0 : i32
      %dma_wait3A_850 = tpu.memref_slice %arg6[%dma_wait3A_847, %dma_wait3A_848, %dma_wait3A_849] : memref<4x800x32xf32, #tpu.memory_space<vmem>> -> memref<1x800x32xf32, #tpu.memory_space<vmem>>
      %dma_wait3A_851 = tpu.memref_squeeze %dma_wait3A_850 : memref<1x800x32xf32, #tpu.memory_space<vmem>> -> memref<800x32xf32, #tpu.memory_space<vmem>>
      %dma_wait3A_852 = arith.constant 0 : i32
      %dma_wait3A_853 = tpu.memref_slice %arg5[%dma_wait3A_846, %dma_wait3A_852] : memref<4x800xi32, #tpu.memory_space<vmem>> -> memref<1x800xi32, #tpu.memory_space<vmem>>
      %dma_wait3A_854 = tpu.memref_squeeze %dma_wait3A_853 : memref<1x800xi32, #tpu.memory_space<vmem>> -> memref<800xi32, #tpu.memory_space<vmem>>
      %dma_wait3A_855 = arith.constant 0 : i32
      %dma_wait3A_856 = arith.constant 0 : i32
      %dma_wait3A_857 = tpu.memref_slice %arg2[%dma_wait3A_855, %dma_wait3A_856] : memref<100000x32xf32, #tpu.memory_space<hbm>> -> memref<100000x32xf32, #tpu.memory_space<hbm>>
      tpu.wait_indirect_dma semaphore(%arg12 : memref<!tpu.dma_semaphore, #tpu.memory_space<semaphore_mem>>) src(%dma_wait3A_857 : memref<100000x32xf32, #tpu.memory_space<hbm>>) dst(%dma_wait3A_851 : memref<800x32xf32, #tpu.memory_space<vmem>>)
      %add3A_858 = arith.constant 1 : i32
      %add3A_859 = arith.addi %mul3A_616, %add3A_858 : i32
      %mul3A_860 = arith.constant 800 : i32
      %mul3A_861 = arith.muli %add3A_859, %mul3A_860 : i32
      %add3A_862 = arith.addi %mul3A_2, %mul3A_861 : i32
      %dma_start3A_863 = arith.constant 1 : i32
      %dma_start3A_864 = arith.constant 0 : i32
      %dma_start3A_865 = arith.constant 0 : i32
      %dma_start3A_866 = tpu.memref_slice %arg6[%dma_start3A_863, %dma_start3A_864, %dma_start3A_865] : memref<4x800x32xf32, #tpu.memory_space<vmem>> -> memref<1x800x32xf32, #tpu.memory_space<vmem>>
      %dma_start3A_867 = tpu.memref_squeeze %dma_start3A_866 : memref<1x800x32xf32, #tpu.memory_space<vmem>> -> memref<800x32xf32, #tpu.memory_space<vmem>>
      %dma_start3A_868 = arith.constant 0 : i32
      %dma_start3A_869 = tpu.memref_slice %arg4[%add3A_862, %dma_start3A_868] : memref<3276800x32xf32, #tpu.memory_space<hbm>> -> memref<800x32xf32, #tpu.memory_space<hbm>>
      %dma_start3A_870 = arith.constant 0 : i32
      %dma_start3A_871 = tpu.memref_slice %arg4[%add3A_862, %dma_start3A_870] : memref<3276800x32xf32, #tpu.memory_space<hbm>> -> memref<800x32xf32, #tpu.memory_space<hbm>>
      %dma_start3A_872 = arith.constant 0 : i32
      %dma_start3A_873 = arith.constant 0 : i32
      %dma_start3A_874 = tpu.memref_slice %arg6[%dma_start3A_863, %dma_start3A_872, %dma_start3A_873] : memref<4x800x32xf32, #tpu.memory_space<vmem>> -> memref<1x800x32xf32, #tpu.memory_space<vmem>>
      %dma_start3A_875 = tpu.memref_squeeze %dma_start3A_874 : memref<1x800x32xf32, #tpu.memory_space<vmem>> -> memref<800x32xf32, #tpu.memory_space<vmem>>
      tpu.enqueue_dma source(%dma_start3A_875 : memref<800x32xf32, #tpu.memory_space<vmem>>) target(%dma_start3A_871 : memref<800x32xf32, #tpu.memory_space<hbm>>) target_semaphore(%arg16 : memref<!tpu.dma_semaphore, #tpu.memory_space<semaphore_mem>>)
      %add3A_876 = arith.constant 4 : i32
      %add3A_877 = arith.addi %mul3A_616, %add3A_876 : i32
      %add3A_878 = arith.constant 1 : i32
      %add3A_879 = arith.addi %add3A_877, %add3A_878 : i32
      %mul3A_880 = arith.constant 800 : i32
      %mul3A_881 = arith.muli %add3A_879, %mul3A_880 : i32
      %add3A_882 = arith.addi %mul3A_2, %mul3A_881 : i32
      %dma_start3A_883 = arith.constant 1 : i32
      %dma_start3A_884 = arith.constant 0 : i32
      %dma_start3A_885 = tpu.memref_slice %arg5[%dma_start3A_883, %dma_start3A_884] : memref<4x800xi32, #tpu.memory_space<vmem>> -> memref<1x800xi32, #tpu.memory_space<vmem>>
      %dma_start3A_886 = tpu.memref_squeeze %dma_start3A_885 : memref<1x800xi32, #tpu.memory_space<vmem>> -> memref<800xi32, #tpu.memory_space<vmem>>
      %dma_start3A_887 = tpu.memref_slice %arg3[%add3A_882] : memref<3276800xi32, #tpu.memory_space<hbm>> -> memref<800xi32, #tpu.memory_space<hbm>>
      %dma_start3A_888 = arith.constant 0 : i32
      %dma_start3A_889 = tpu.memref_slice %arg5[%dma_start3A_883, %dma_start3A_888] : memref<4x800xi32, #tpu.memory_space<vmem>> -> memref<1x800xi32, #tpu.memory_space<vmem>>
      %dma_start3A_890 = tpu.memref_squeeze %dma_start3A_889 : memref<1x800xi32, #tpu.memory_space<vmem>> -> memref<800xi32, #tpu.memory_space<vmem>>
      %dma_start3A_891 = tpu.memref_slice %arg3[%add3A_882] : memref<3276800xi32, #tpu.memory_space<hbm>> -> memref<800xi32, #tpu.memory_space<hbm>>
      tpu.enqueue_dma source(%dma_start3A_891 : memref<800xi32, #tpu.memory_space<hbm>>) target(%dma_start3A_890 : memref<800xi32, #tpu.memory_space<vmem>>) target_semaphore(%arg8 : memref<!tpu.dma_semaphore, #tpu.memory_space<semaphore_mem>>)
      %dma_wait3A_892 = arith.constant 2 : i32
      %dma_wait3A_893 = arith.constant 2 : i32
      %dma_wait3A_894 = arith.constant 0 : i32
      %dma_wait3A_895 = arith.constant 0 : i32
      %dma_wait3A_896 = tpu.memref_slice %arg6[%dma_wait3A_893, %dma_wait3A_894, %dma_wait3A_895] : memref<4x800x32xf32, #tpu.memory_space<vmem>> -> memref<1x800x32xf32, #tpu.memory_space<vmem>>
      %dma_wait3A_897 = tpu.memref_squeeze %dma_wait3A_896 : memref<1x800x32xf32, #tpu.memory_space<vmem>> -> memref<800x32xf32, #tpu.memory_space<vmem>>
      %dma_wait3A_898 = arith.constant 0 : i32
      %dma_wait3A_899 = tpu.memref_slice %arg5[%dma_wait3A_892, %dma_wait3A_898] : memref<4x800xi32, #tpu.memory_space<vmem>> -> memref<1x800xi32, #tpu.memory_space<vmem>>
      %dma_wait3A_900 = tpu.memref_squeeze %dma_wait3A_899 : memref<1x800xi32, #tpu.memory_space<vmem>> -> memref<800xi32, #tpu.memory_space<vmem>>
      %dma_wait3A_901 = arith.constant 0 : i32
      %dma_wait3A_902 = arith.constant 0 : i32
      %dma_wait3A_903 = tpu.memref_slice %arg2[%dma_wait3A_901, %dma_wait3A_902] : memref<100000x32xf32, #tpu.memory_space<hbm>> -> memref<100000x32xf32, #tpu.memory_space<hbm>>
      tpu.wait_indirect_dma semaphore(%arg13 : memref<!tpu.dma_semaphore, #tpu.memory_space<semaphore_mem>>) src(%dma_wait3A_903 : memref<100000x32xf32, #tpu.memory_space<hbm>>) dst(%dma_wait3A_897 : memref<800x32xf32, #tpu.memory_space<vmem>>)
      %add3A_904 = arith.constant 2 : i32
      %add3A_905 = arith.addi %mul3A_616, %add3A_904 : i32
      %mul3A_906 = arith.constant 800 : i32
      %mul3A_907 = arith.muli %add3A_905, %mul3A_906 : i32
      %add3A_908 = arith.addi %mul3A_2, %mul3A_907 : i32
      %dma_start3A_909 = arith.constant 2 : i32
      %dma_start3A_910 = arith.constant 0 : i32
      %dma_start3A_911 = arith.constant 0 : i32
      %dma_start3A_912 = tpu.memref_slice %arg6[%dma_start3A_909, %dma_start3A_910, %dma_start3A_911] : memref<4x800x32xf32, #tpu.memory_space<vmem>> -> memref<1x800x32xf32, #tpu.memory_space<vmem>>
      %dma_start3A_913 = tpu.memref_squeeze %dma_start3A_912 : memref<1x800x32xf32, #tpu.memory_space<vmem>> -> memref<800x32xf32, #tpu.memory_space<vmem>>
      %dma_start3A_914 = arith.constant 0 : i32
      %dma_start3A_915 = tpu.memref_slice %arg4[%add3A_908, %dma_start3A_914] : memref<3276800x32xf32, #tpu.memory_space<hbm>> -> memref<800x32xf32, #tpu.memory_space<hbm>>
      %dma_start3A_916 = arith.constant 0 : i32
      %dma_start3A_917 = tpu.memref_slice %arg4[%add3A_908, %dma_start3A_916] : memref<3276800x32xf32, #tpu.memory_space<hbm>> -> memref<800x32xf32, #tpu.memory_space<hbm>>
      %dma_start3A_918 = arith.constant 0 : i32
      %dma_start3A_919 = arith.constant 0 : i32
      %dma_start3A_920 = tpu.memref_slice %arg6[%dma_start3A_909, %dma_start3A_918, %dma_start3A_919] : memref<4x800x32xf32, #tpu.memory_space<vmem>> -> memref<1x800x32xf32, #tpu.memory_space<vmem>>
      %dma_start3A_921 = tpu.memref_squeeze %dma_start3A_920 : memref<1x800x32xf32, #tpu.memory_space<vmem>> -> memref<800x32xf32, #tpu.memory_space<vmem>>
      tpu.enqueue_dma source(%dma_start3A_921 : memref<800x32xf32, #tpu.memory_space<vmem>>) target(%dma_start3A_917 : memref<800x32xf32, #tpu.memory_space<hbm>>) target_semaphore(%arg17 : memref<!tpu.dma_semaphore, #tpu.memory_space<semaphore_mem>>)
      %add3A_922 = arith.constant 4 : i32
      %add3A_923 = arith.addi %mul3A_616, %add3A_922 : i32
      %add3A_924 = arith.constant 2 : i32
      %add3A_925 = arith.addi %add3A_923, %add3A_924 : i32
      %mul3A_926 = arith.constant 800 : i32
      %mul3A_927 = arith.muli %add3A_925, %mul3A_926 : i32
      %add3A_928 = arith.addi %mul3A_2, %mul3A_927 : i32
      %dma_start3A_929 = arith.constant 2 : i32
      %dma_start3A_930 = arith.constant 0 : i32
      %dma_start3A_931 = tpu.memref_slice %arg5[%dma_start3A_929, %dma_start3A_930] : memref<4x800xi32, #tpu.memory_space<vmem>> -> memref<1x800xi32, #tpu.memory_space<vmem>>
      %dma_start3A_932 = tpu.memref_squeeze %dma_start3A_931 : memref<1x800xi32, #tpu.memory_space<vmem>> -> memref<800xi32, #tpu.memory_space<vmem>>
      %dma_start3A_933 = tpu.memref_slice %arg3[%add3A_928] : memref<3276800xi32, #tpu.memory_space<hbm>> -> memref<800xi32, #tpu.memory_space<hbm>>
      %dma_start3A_934 = arith.constant 0 : i32
      %dma_start3A_935 = tpu.memref_slice %arg5[%dma_start3A_929, %dma_start3A_934] : memref<4x800xi32, #tpu.memory_space<vmem>> -> memref<1x800xi32, #tpu.memory_space<vmem>>
      %dma_start3A_936 = tpu.memref_squeeze %dma_start3A_935 : memref<1x800xi32, #tpu.memory_space<vmem>> -> memref<800xi32, #tpu.memory_space<vmem>>
      %dma_start3A_937 = tpu.memref_slice %arg3[%add3A_928] : memref<3276800xi32, #tpu.memory_space<hbm>> -> memref<800xi32, #tpu.memory_space<hbm>>
      tpu.enqueue_dma source(%dma_start3A_937 : memref<800xi32, #tpu.memory_space<hbm>>) target(%dma_start3A_936 : memref<800xi32, #tpu.memory_space<vmem>>) target_semaphore(%arg9 : memref<!tpu.dma_semaphore, #tpu.memory_space<semaphore_mem>>)
      %dma_wait3A_938 = arith.constant 3 : i32
      %dma_wait3A_939 = arith.constant 3 : i32
      %dma_wait3A_940 = arith.constant 0 : i32
      %dma_wait3A_941 = arith.constant 0 : i32
      %dma_wait3A_942 = tpu.memref_slice %arg6[%dma_wait3A_939, %dma_wait3A_940, %dma_wait3A_941] : memref<4x800x32xf32, #tpu.memory_space<vmem>> -> memref<1x800x32xf32, #tpu.memory_space<vmem>>
      %dma_wait3A_943 = tpu.memref_squeeze %dma_wait3A_942 : memref<1x800x32xf32, #tpu.memory_space<vmem>> -> memref<800x32xf32, #tpu.memory_space<vmem>>
      %dma_wait3A_944 = arith.constant 0 : i32
      %dma_wait3A_945 = tpu.memref_slice %arg5[%dma_wait3A_938, %dma_wait3A_944] : memref<4x800xi32, #tpu.memory_space<vmem>> -> memref<1x800xi32, #tpu.memory_space<vmem>>
      %dma_wait3A_946 = tpu.memref_squeeze %dma_wait3A_945 : memref<1x800xi32, #tpu.memory_space<vmem>> -> memref<800xi32, #tpu.memory_space<vmem>>
      %dma_wait3A_947 = arith.constant 0 : i32
      %dma_wait3A_948 = arith.constant 0 : i32
      %dma_wait3A_949 = tpu.memref_slice %arg2[%dma_wait3A_947, %dma_wait3A_948] : memref<100000x32xf32, #tpu.memory_space<hbm>> -> memref<100000x32xf32, #tpu.memory_space<hbm>>
      tpu.wait_indirect_dma semaphore(%arg14 : memref<!tpu.dma_semaphore, #tpu.memory_space<semaphore_mem>>) src(%dma_wait3A_949 : memref<100000x32xf32, #tpu.memory_space<hbm>>) dst(%dma_wait3A_943 : memref<800x32xf32, #tpu.memory_space<vmem>>)
      %add3A_950 = arith.constant 3 : i32
      %add3A_951 = arith.addi %mul3A_616, %add3A_950 : i32
      %mul3A_952 = arith.constant 800 : i32
      %mul3A_953 = arith.muli %add3A_951, %mul3A_952 : i32
      %add3A_954 = arith.addi %mul3A_2, %mul3A_953 : i32
      %dma_start3A_955 = arith.constant 3 : i32
      %dma_start3A_956 = arith.constant 0 : i32
      %dma_start3A_957 = arith.constant 0 : i32
      %dma_start3A_958 = tpu.memref_slice %arg6[%dma_start3A_955, %dma_start3A_956, %dma_start3A_957] : memref<4x800x32xf32, #tpu.memory_space<vmem>> -> memref<1x800x32xf32, #tpu.memory_space<vmem>>
      %dma_start3A_959 = tpu.memref_squeeze %dma_start3A_958 : memref<1x800x32xf32, #tpu.memory_space<vmem>> -> memref<800x32xf32, #tpu.memory_space<vmem>>
      %dma_start3A_960 = arith.constant 0 : i32
      %dma_start3A_961 = tpu.memref_slice %arg4[%add3A_954, %dma_start3A_960] : memref<3276800x32xf32, #tpu.memory_space<hbm>> -> memref<800x32xf32, #tpu.memory_space<hbm>>
      %dma_start3A_962 = arith.constant 0 : i32
      %dma_start3A_963 = tpu.memref_slice %arg4[%add3A_954, %dma_start3A_962] : memref<3276800x32xf32, #tpu.memory_space<hbm>> -> memref<800x32xf32, #tpu.memory_space<hbm>>
      %dma_start3A_964 = arith.constant 0 : i32
      %dma_start3A_965 = arith.constant 0 : i32
      %dma_start3A_966 = tpu.memref_slice %arg6[%dma_start3A_955, %dma_start3A_964, %dma_start3A_965] : memref<4x800x32xf32, #tpu.memory_space<vmem>> -> memref<1x800x32xf32, #tpu.memory_space<vmem>>
      %dma_start3A_967 = tpu.memref_squeeze %dma_start3A_966 : memref<1x800x32xf32, #tpu.memory_space<vmem>> -> memref<800x32xf32, #tpu.memory_space<vmem>>
      tpu.enqueue_dma source(%dma_start3A_967 : memref<800x32xf32, #tpu.memory_space<vmem>>) target(%dma_start3A_963 : memref<800x32xf32, #tpu.memory_space<hbm>>) target_semaphore(%arg18 : memref<!tpu.dma_semaphore, #tpu.memory_space<semaphore_mem>>)
      %add3A_968 = arith.constant 4 : i32
      %add3A_969 = arith.addi %mul3A_616, %add3A_968 : i32
      %add3A_970 = arith.constant 3 : i32
      %add3A_971 = arith.addi %add3A_969, %add3A_970 : i32
      %mul3A_972 = arith.constant 800 : i32
      %mul3A_973 = arith.muli %add3A_971, %mul3A_972 : i32
      %add3A_974 = arith.addi %mul3A_2, %mul3A_973 : i32
      %dma_start3A_975 = arith.constant 3 : i32
      %dma_start3A_976 = arith.constant 0 : i32
      %dma_start3A_977 = tpu.memref_slice %arg5[%dma_start3A_975, %dma_start3A_976] : memref<4x800xi32, #tpu.memory_space<vmem>> -> memref<1x800xi32, #tpu.memory_space<vmem>>
      %dma_start3A_978 = tpu.memref_squeeze %dma_start3A_977 : memref<1x800xi32, #tpu.memory_space<vmem>> -> memref<800xi32, #tpu.memory_space<vmem>>
      %dma_start3A_979 = tpu.memref_slice %arg3[%add3A_974] : memref<3276800xi32, #tpu.memory_space<hbm>> -> memref<800xi32, #tpu.memory_space<hbm>>
      %dma_start3A_980 = arith.constant 0 : i32
      %dma_start3A_981 = tpu.memref_slice %arg5[%dma_start3A_975, %dma_start3A_980] : memref<4x800xi32, #tpu.memory_space<vmem>> -> memref<1x800xi32, #tpu.memory_space<vmem>>
      %dma_start3A_982 = tpu.memref_squeeze %dma_start3A_981 : memref<1x800xi32, #tpu.memory_space<vmem>> -> memref<800xi32, #tpu.memory_space<vmem>>
      %dma_start3A_983 = tpu.memref_slice %arg3[%add3A_974] : memref<3276800xi32, #tpu.memory_space<hbm>> -> memref<800xi32, #tpu.memory_space<hbm>>
      tpu.enqueue_dma source(%dma_start3A_983 : memref<800xi32, #tpu.memory_space<hbm>>) target(%dma_start3A_982 : memref<800xi32, #tpu.memory_space<vmem>>) target_semaphore(%arg10 : memref<!tpu.dma_semaphore, #tpu.memory_space<semaphore_mem>>)
    }
    %scan3A_293 = arith.constant 30 : i32
    %add3A_294 = arith.constant 96000 : i32
    %add3A_295 = arith.addi %mul3A_2, %add3A_294 : i32
    %dma_wait3A_296 = arith.constant 0 : i32
    %dma_wait3A_297 = arith.constant 0 : i32
    %dma_wait3A_298 = arith.constant 0 : i32
    %dma_wait3A_299 = tpu.memref_slice %arg6[%dma_wait3A_296, %dma_wait3A_297, %dma_wait3A_298] : memref<4x800x32xf32, #tpu.memory_space<vmem>> -> memref<1x800x32xf32, #tpu.memory_space<vmem>>
    %dma_wait3A_300 = tpu.memref_squeeze %dma_wait3A_299 : memref<1x800x32xf32, #tpu.memory_space<vmem>> -> memref<800x32xf32, #tpu.memory_space<vmem>>
    %dma_wait3A_301 = arith.constant 0 : i32
    %dma_wait3A_302 = tpu.memref_slice %arg4[%add3A_295, %dma_wait3A_301] : memref<3276800x32xf32, #tpu.memory_space<hbm>> -> memref<800x32xf32, #tpu.memory_space<hbm>>
    %dma_wait3A_303 = arith.constant 0 : i32
    %dma_wait3A_304 = tpu.memref_slice %arg4[%add3A_295, %dma_wait3A_303] : memref<3276800x32xf32, #tpu.memory_space<hbm>> -> memref<800x32xf32, #tpu.memory_space<hbm>>
    %dma_wait3A_305 = arith.constant 0 : i32
    %dma_wait3A_306 = arith.constant 0 : i32
    %dma_wait3A_307 = tpu.memref_slice %arg6[%dma_wait3A_296, %dma_wait3A_305, %dma_wait3A_306] : memref<4x800x32xf32, #tpu.memory_space<vmem>> -> memref<1x800x32xf32, #tpu.memory_space<vmem>>
    %dma_wait3A_308 = tpu.memref_squeeze %dma_wait3A_307 : memref<1x800x32xf32, #tpu.memory_space<vmem>> -> memref<800x32xf32, #tpu.memory_space<vmem>>
    tpu.wait_dma2 semaphore(%arg15 : memref<!tpu.dma_semaphore, #tpu.memory_space<semaphore_mem>>) src(%dma_wait3A_308 : memref<800x32xf32, #tpu.memory_space<vmem>>) dst(%dma_wait3A_304 : memref<800x32xf32, #tpu.memory_space<hbm>>)
    %add3A_309 = arith.constant 99200 : i32
    %add3A_310 = arith.addi %mul3A_2, %add3A_309 : i32
    %dma_wait3A_311 = arith.constant 0 : i32
    %dma_wait3A_312 = arith.constant 0 : i32
    %dma_wait3A_313 = tpu.memref_slice %arg5[%dma_wait3A_311, %dma_wait3A_312] : memref<4x800xi32, #tpu.memory_space<vmem>> -> memref<1x800xi32, #tpu.memory_space<vmem>>
    %dma_wait3A_314 = tpu.memref_squeeze %dma_wait3A_313 : memref<1x800xi32, #tpu.memory_space<vmem>> -> memref<800xi32, #tpu.memory_space<vmem>>
    %dma_wait3A_315 = tpu.memref_slice %arg3[%add3A_310] : memref<3276800xi32, #tpu.memory_space<hbm>> -> memref<800xi32, #tpu.memory_space<hbm>>
    %dma_wait3A_316 = arith.constant 0 : i32
    %dma_wait3A_317 = tpu.memref_slice %arg5[%dma_wait3A_311, %dma_wait3A_316] : memref<4x800xi32, #tpu.memory_space<vmem>> -> memref<1x800xi32, #tpu.memory_space<vmem>>
    %dma_wait3A_318 = tpu.memref_squeeze %dma_wait3A_317 : memref<1x800xi32, #tpu.memory_space<vmem>> -> memref<800xi32, #tpu.memory_space<vmem>>
    %dma_wait3A_319 = tpu.memref_slice %arg3[%add3A_310] : memref<3276800xi32, #tpu.memory_space<hbm>> -> memref<800xi32, #tpu.memory_space<hbm>>
    tpu.wait_dma2 semaphore(%arg7 : memref<!tpu.dma_semaphore, #tpu.memory_space<semaphore_mem>>) src(%dma_wait3A_319 : memref<800xi32, #tpu.memory_space<hbm>>) dst(%dma_wait3A_318 : memref<800xi32, #tpu.memory_space<vmem>>)
    %dma_start3A_320 = arith.constant 0 : i32
    %dma_start3A_321 = arith.constant 0 : i32
    %dma_start3A_322 = arith.constant 0 : i32
    %dma_start3A_323 = arith.constant 0 : i32
    %dma_start3A_324 = tpu.memref_slice %arg6[%dma_start3A_321, %dma_start3A_322, %dma_start3A_323] : memref<4x800x32xf32, #tpu.memory_space<vmem>> -> memref<1x800x32xf32, #tpu.memory_space<vmem>>
    %dma_start3A_325 = tpu.memref_squeeze %dma_start3A_324 : memref<1x800x32xf32, #tpu.memory_space<vmem>> -> memref<800x32xf32, #tpu.memory_space<vmem>>
    %dma_start3A_326 = arith.constant 0 : i32
    %dma_start3A_327 = tpu.memref_slice %arg5[%dma_start3A_320, %dma_start3A_326] : memref<4x800xi32, #tpu.memory_space<vmem>> -> memref<1x800xi32, #tpu.memory_space<vmem>>
    %dma_start3A_328 = tpu.memref_squeeze %dma_start3A_327 : memref<1x800xi32, #tpu.memory_space<vmem>> -> memref<800xi32, #tpu.memory_space<vmem>>
    %dma_start3A_329 = arith.constant 0 : i32
    %dma_start3A_330 = arith.constant 0 : i32
    %dma_start3A_331 = tpu.memref_slice %arg2[%dma_start3A_329, %dma_start3A_330] : memref<100000x32xf32, #tpu.memory_space<hbm>> -> memref<100000x32xf32, #tpu.memory_space<hbm>>
    tpu.enqueue_indirect_dma source(%dma_start3A_331 : memref<100000x32xf32, #tpu.memory_space<hbm>>) target(%dma_start3A_325 : memref<800x32xf32, #tpu.memory_space<vmem>>) offsets(%dma_start3A_328 : memref<800xi32, #tpu.memory_space<vmem>>) semaphore(%arg11 : memref<!tpu.dma_semaphore, #tpu.memory_space<semaphore_mem>>)
    %add3A_332 = arith.constant 96800 : i32
    %add3A_333 = arith.addi %mul3A_2, %add3A_332 : i32
    %dma_wait3A_334 = arith.constant 1 : i32
    %dma_wait3A_335 = arith.constant 0 : i32
    %dma_wait3A_336 = arith.constant 0 : i32
    %dma_wait3A_337 = tpu.memref_slice %arg6[%dma_wait3A_334, %dma_wait3A_335, %dma_wait3A_336] : memref<4x800x32xf32, #tpu.memory_space<vmem>> -> memref<1x800x32xf32, #tpu.memory_space<vmem>>
    %dma_wait3A_338 = tpu.memref_squeeze %dma_wait3A_337 : memref<1x800x32xf32, #tpu.memory_space<vmem>> -> memref<800x32xf32, #tpu.memory_space<vmem>>
    %dma_wait3A_339 = arith.constant 0 : i32
    %dma_wait3A_340 = tpu.memref_slice %arg4[%add3A_333, %dma_wait3A_339] : memref<3276800x32xf32, #tpu.memory_space<hbm>> -> memref<800x32xf32, #tpu.memory_space<hbm>>
    %dma_wait3A_341 = arith.constant 0 : i32
    %dma_wait3A_342 = tpu.memref_slice %arg4[%add3A_333, %dma_wait3A_341] : memref<3276800x32xf32, #tpu.memory_space<hbm>> -> memref<800x32xf32, #tpu.memory_space<hbm>>
    %dma_wait3A_343 = arith.constant 0 : i32
    %dma_wait3A_344 = arith.constant 0 : i32
    %dma_wait3A_345 = tpu.memref_slice %arg6[%dma_wait3A_334, %dma_wait3A_343, %dma_wait3A_344] : memref<4x800x32xf32, #tpu.memory_space<vmem>> -> memref<1x800x32xf32, #tpu.memory_space<vmem>>
    %dma_wait3A_346 = tpu.memref_squeeze %dma_wait3A_345 : memref<1x800x32xf32, #tpu.memory_space<vmem>> -> memref<800x32xf32, #tpu.memory_space<vmem>>
    tpu.wait_dma2 semaphore(%arg16 : memref<!tpu.dma_semaphore, #tpu.memory_space<semaphore_mem>>) src(%dma_wait3A_346 : memref<800x32xf32, #tpu.memory_space<vmem>>) dst(%dma_wait3A_342 : memref<800x32xf32, #tpu.memory_space<hbm>>)
    %add3A_347 = arith.constant 100000 : i32
    %add3A_348 = arith.addi %mul3A_2, %add3A_347 : i32
    %dma_wait3A_349 = arith.constant 1 : i32
    %dma_wait3A_350 = arith.constant 0 : i32
    %dma_wait3A_351 = tpu.memref_slice %arg5[%dma_wait3A_349, %dma_wait3A_350] : memref<4x800xi32, #tpu.memory_space<vmem>> -> memref<1x800xi32, #tpu.memory_space<vmem>>
    %dma_wait3A_352 = tpu.memref_squeeze %dma_wait3A_351 : memref<1x800xi32, #tpu.memory_space<vmem>> -> memref<800xi32, #tpu.memory_space<vmem>>
    %dma_wait3A_353 = tpu.memref_slice %arg3[%add3A_348] : memref<3276800xi32, #tpu.memory_space<hbm>> -> memref<800xi32, #tpu.memory_space<hbm>>
    %dma_wait3A_354 = arith.constant 0 : i32
    %dma_wait3A_355 = tpu.memref_slice %arg5[%dma_wait3A_349, %dma_wait3A_354] : memref<4x800xi32, #tpu.memory_space<vmem>> -> memref<1x800xi32, #tpu.memory_space<vmem>>
    %dma_wait3A_356 = tpu.memref_squeeze %dma_wait3A_355 : memref<1x800xi32, #tpu.memory_space<vmem>> -> memref<800xi32, #tpu.memory_space<vmem>>
    %dma_wait3A_357 = tpu.memref_slice %arg3[%add3A_348] : memref<3276800xi32, #tpu.memory_space<hbm>> -> memref<800xi32, #tpu.memory_space<hbm>>
    tpu.wait_dma2 semaphore(%arg8 : memref<!tpu.dma_semaphore, #tpu.memory_space<semaphore_mem>>) src(%dma_wait3A_357 : memref<800xi32, #tpu.memory_space<hbm>>) dst(%dma_wait3A_356 : memref<800xi32, #tpu.memory_space<vmem>>)
    %dma_start3A_358 = arith.constant 1 : i32
    %dma_start3A_359 = arith.constant 1 : i32
    %dma_start3A_360 = arith.constant 0 : i32
    %dma_start3A_361 = arith.constant 0 : i32
    %dma_start3A_362 = tpu.memref_slice %arg6[%dma_start3A_359, %dma_start3A_360, %dma_start3A_361] : memref<4x800x32xf32, #tpu.memory_space<vmem>> -> memref<1x800x32xf32, #tpu.memory_space<vmem>>
    %dma_start3A_363 = tpu.memref_squeeze %dma_start3A_362 : memref<1x800x32xf32, #tpu.memory_space<vmem>> -> memref<800x32xf32, #tpu.memory_space<vmem>>
    %dma_start3A_364 = arith.constant 0 : i32
    %dma_start3A_365 = tpu.memref_slice %arg5[%dma_start3A_358, %dma_start3A_364] : memref<4x800xi32, #tpu.memory_space<vmem>> -> memref<1x800xi32, #tpu.memory_space<vmem>>
    %dma_start3A_366 = tpu.memref_squeeze %dma_start3A_365 : memref<1x800xi32, #tpu.memory_space<vmem>> -> memref<800xi32, #tpu.memory_space<vmem>>
    %dma_start3A_367 = arith.constant 0 : i32
    %dma_start3A_368 = arith.constant 0 : i32
    %dma_start3A_369 = tpu.memref_slice %arg2[%dma_start3A_367, %dma_start3A_368] : memref<100000x32xf32, #tpu.memory_space<hbm>> -> memref<100000x32xf32, #tpu.memory_space<hbm>>
    tpu.enqueue_indirect_dma source(%dma_start3A_369 : memref<100000x32xf32, #tpu.memory_space<hbm>>) target(%dma_start3A_363 : memref<800x32xf32, #tpu.memory_space<vmem>>) offsets(%dma_start3A_366 : memref<800xi32, #tpu.memory_space<vmem>>) semaphore(%arg12 : memref<!tpu.dma_semaphore, #tpu.memory_space<semaphore_mem>>)
    %add3A_370 = arith.constant 97600 : i32
    %add3A_371 = arith.addi %mul3A_2, %add3A_370 : i32
    %dma_wait3A_372 = arith.constant 2 : i32
    %dma_wait3A_373 = arith.constant 0 : i32
    %dma_wait3A_374 = arith.constant 0 : i32
    %dma_wait3A_375 = tpu.memref_slice %arg6[%dma_wait3A_372, %dma_wait3A_373, %dma_wait3A_374] : memref<4x800x32xf32, #tpu.memory_space<vmem>> -> memref<1x800x32xf32, #tpu.memory_space<vmem>>
    %dma_wait3A_376 = tpu.memref_squeeze %dma_wait3A_375 : memref<1x800x32xf32, #tpu.memory_space<vmem>> -> memref<800x32xf32, #tpu.memory_space<vmem>>
    %dma_wait3A_377 = arith.constant 0 : i32
    %dma_wait3A_378 = tpu.memref_slice %arg4[%add3A_371, %dma_wait3A_377] : memref<3276800x32xf32, #tpu.memory_space<hbm>> -> memref<800x32xf32, #tpu.memory_space<hbm>>
    %dma_wait3A_379 = arith.constant 0 : i32
    %dma_wait3A_380 = tpu.memref_slice %arg4[%add3A_371, %dma_wait3A_379] : memref<3276800x32xf32, #tpu.memory_space<hbm>> -> memref<800x32xf32, #tpu.memory_space<hbm>>
    %dma_wait3A_381 = arith.constant 0 : i32
    %dma_wait3A_382 = arith.constant 0 : i32
    %dma_wait3A_383 = tpu.memref_slice %arg6[%dma_wait3A_372, %dma_wait3A_381, %dma_wait3A_382] : memref<4x800x32xf32, #tpu.memory_space<vmem>> -> memref<1x800x32xf32, #tpu.memory_space<vmem>>
    %dma_wait3A_384 = tpu.memref_squeeze %dma_wait3A_383 : memref<1x800x32xf32, #tpu.memory_space<vmem>> -> memref<800x32xf32, #tpu.memory_space<vmem>>
    tpu.wait_dma2 semaphore(%arg17 : memref<!tpu.dma_semaphore, #tpu.memory_space<semaphore_mem>>) src(%dma_wait3A_384 : memref<800x32xf32, #tpu.memory_space<vmem>>) dst(%dma_wait3A_380 : memref<800x32xf32, #tpu.memory_space<hbm>>)
    %add3A_385 = arith.constant 100800 : i32
    %add3A_386 = arith.addi %mul3A_2, %add3A_385 : i32
    %dma_wait3A_387 = arith.constant 2 : i32
    %dma_wait3A_388 = arith.constant 0 : i32
    %dma_wait3A_389 = tpu.memref_slice %arg5[%dma_wait3A_387, %dma_wait3A_388] : memref<4x800xi32, #tpu.memory_space<vmem>> -> memref<1x800xi32, #tpu.memory_space<vmem>>
    %dma_wait3A_390 = tpu.memref_squeeze %dma_wait3A_389 : memref<1x800xi32, #tpu.memory_space<vmem>> -> memref<800xi32, #tpu.memory_space<vmem>>
    %dma_wait3A_391 = tpu.memref_slice %arg3[%add3A_386] : memref<3276800xi32, #tpu.memory_space<hbm>> -> memref<800xi32, #tpu.memory_space<hbm>>
    %dma_wait3A_392 = arith.constant 0 : i32
    %dma_wait3A_393 = tpu.memref_slice %arg5[%dma_wait3A_387, %dma_wait3A_392] : memref<4x800xi32, #tpu.memory_space<vmem>> -> memref<1x800xi32, #tpu.memory_space<vmem>>
    %dma_wait3A_394 = tpu.memref_squeeze %dma_wait3A_393 : memref<1x800xi32, #tpu.memory_space<vmem>> -> memref<800xi32, #tpu.memory_space<vmem>>
    %dma_wait3A_395 = tpu.memref_slice %arg3[%add3A_386] : memref<3276800xi32, #tpu.memory_space<hbm>> -> memref<800xi32, #tpu.memory_space<hbm>>
    tpu.wait_dma2 semaphore(%arg9 : memref<!tpu.dma_semaphore, #tpu.memory_space<semaphore_mem>>) src(%dma_wait3A_395 : memref<800xi32, #tpu.memory_space<hbm>>) dst(%dma_wait3A_394 : memref<800xi32, #tpu.memory_space<vmem>>)
    %dma_start3A_396 = arith.constant 2 : i32
    %dma_start3A_397 = arith.constant 2 : i32
    %dma_start3A_398 = arith.constant 0 : i32
    %dma_start3A_399 = arith.constant 0 : i32
    %dma_start3A_400 = tpu.memref_slice %arg6[%dma_start3A_397, %dma_start3A_398, %dma_start3A_399] : memref<4x800x32xf32, #tpu.memory_space<vmem>> -> memref<1x800x32xf32, #tpu.memory_space<vmem>>
    %dma_start3A_401 = tpu.memref_squeeze %dma_start3A_400 : memref<1x800x32xf32, #tpu.memory_space<vmem>> -> memref<800x32xf32, #tpu.memory_space<vmem>>
    %dma_start3A_402 = arith.constant 0 : i32
    %dma_start3A_403 = tpu.memref_slice %arg5[%dma_start3A_396, %dma_start3A_402] : memref<4x800xi32, #tpu.memory_space<vmem>> -> memref<1x800xi32, #tpu.memory_space<vmem>>
    %dma_start3A_404 = tpu.memref_squeeze %dma_start3A_403 : memref<1x800xi32, #tpu.memory_space<vmem>> -> memref<800xi32, #tpu.memory_space<vmem>>
    %dma_start3A_405 = arith.constant 0 : i32
    %dma_start3A_406 = arith.constant 0 : i32
    %dma_start3A_407 = tpu.memref_slice %arg2[%dma_start3A_405, %dma_start3A_406] : memref<100000x32xf32, #tpu.memory_space<hbm>> -> memref<100000x32xf32, #tpu.memory_space<hbm>>
    tpu.enqueue_indirect_dma source(%dma_start3A_407 : memref<100000x32xf32, #tpu.memory_space<hbm>>) target(%dma_start3A_401 : memref<800x32xf32, #tpu.memory_space<vmem>>) offsets(%dma_start3A_404 : memref<800xi32, #tpu.memory_space<vmem>>) semaphore(%arg13 : memref<!tpu.dma_semaphore, #tpu.memory_space<semaphore_mem>>)
    %add3A_408 = arith.constant 98400 : i32
    %add3A_409 = arith.addi %mul3A_2, %add3A_408 : i32
    %dma_wait3A_410 = arith.constant 3 : i32
    %dma_wait3A_411 = arith.constant 0 : i32
    %dma_wait3A_412 = arith.constant 0 : i32
    %dma_wait3A_413 = tpu.memref_slice %arg6[%dma_wait3A_410, %dma_wait3A_411, %dma_wait3A_412] : memref<4x800x32xf32, #tpu.memory_space<vmem>> -> memref<1x800x32xf32, #tpu.memory_space<vmem>>
    %dma_wait3A_414 = tpu.memref_squeeze %dma_wait3A_413 : memref<1x800x32xf32, #tpu.memory_space<vmem>> -> memref<800x32xf32, #tpu.memory_space<vmem>>
    %dma_wait3A_415 = arith.constant 0 : i32
    %dma_wait3A_416 = tpu.memref_slice %arg4[%add3A_409, %dma_wait3A_415] : memref<3276800x32xf32, #tpu.memory_space<hbm>> -> memref<800x32xf32, #tpu.memory_space<hbm>>
    %dma_wait3A_417 = arith.constant 0 : i32
    %dma_wait3A_418 = tpu.memref_slice %arg4[%add3A_409, %dma_wait3A_417] : memref<3276800x32xf32, #tpu.memory_space<hbm>> -> memref<800x32xf32, #tpu.memory_space<hbm>>
    %dma_wait3A_419 = arith.constant 0 : i32
    %dma_wait3A_420 = arith.constant 0 : i32
    %dma_wait3A_421 = tpu.memref_slice %arg6[%dma_wait3A_410, %dma_wait3A_419, %dma_wait3A_420] : memref<4x800x32xf32, #tpu.memory_space<vmem>> -> memref<1x800x32xf32, #tpu.memory_space<vmem>>
    %dma_wait3A_422 = tpu.memref_squeeze %dma_wait3A_421 : memref<1x800x32xf32, #tpu.memory_space<vmem>> -> memref<800x32xf32, #tpu.memory_space<vmem>>
    tpu.wait_dma2 semaphore(%arg18 : memref<!tpu.dma_semaphore, #tpu.memory_space<semaphore_mem>>) src(%dma_wait3A_422 : memref<800x32xf32, #tpu.memory_space<vmem>>) dst(%dma_wait3A_418 : memref<800x32xf32, #tpu.memory_space<hbm>>)
    %add3A_423 = arith.constant 101600 : i32
    %add3A_424 = arith.addi %mul3A_2, %add3A_423 : i32
    %dma_wait3A_425 = arith.constant 3 : i32
    %dma_wait3A_426 = arith.constant 0 : i32
    %dma_wait3A_427 = tpu.memref_slice %arg5[%dma_wait3A_425, %dma_wait3A_426] : memref<4x800xi32, #tpu.memory_space<vmem>> -> memref<1x800xi32, #tpu.memory_space<vmem>>
    %dma_wait3A_428 = tpu.memref_squeeze %dma_wait3A_427 : memref<1x800xi32, #tpu.memory_space<vmem>> -> memref<800xi32, #tpu.memory_space<vmem>>
    %dma_wait3A_429 = tpu.memref_slice %arg3[%add3A_424] : memref<3276800xi32, #tpu.memory_space<hbm>> -> memref<800xi32, #tpu.memory_space<hbm>>
    %dma_wait3A_430 = arith.constant 0 : i32
    %dma_wait3A_431 = tpu.memref_slice %arg5[%dma_wait3A_425, %dma_wait3A_430] : memref<4x800xi32, #tpu.memory_space<vmem>> -> memref<1x800xi32, #tpu.memory_space<vmem>>
    %dma_wait3A_432 = tpu.memref_squeeze %dma_wait3A_431 : memref<1x800xi32, #tpu.memory_space<vmem>> -> memref<800xi32, #tpu.memory_space<vmem>>
    %dma_wait3A_433 = tpu.memref_slice %arg3[%add3A_424] : memref<3276800xi32, #tpu.memory_space<hbm>> -> memref<800xi32, #tpu.memory_space<hbm>>
    tpu.wait_dma2 semaphore(%arg10 : memref<!tpu.dma_semaphore, #tpu.memory_space<semaphore_mem>>) src(%dma_wait3A_433 : memref<800xi32, #tpu.memory_space<hbm>>) dst(%dma_wait3A_432 : memref<800xi32, #tpu.memory_space<vmem>>)
    %dma_start3A_434 = arith.constant 3 : i32
    %dma_start3A_435 = arith.constant 3 : i32
    %dma_start3A_436 = arith.constant 0 : i32
    %dma_start3A_437 = arith.constant 0 : i32
    %dma_start3A_438 = tpu.memref_slice %arg6[%dma_start3A_435, %dma_start3A_436, %dma_start3A_437] : memref<4x800x32xf32, #tpu.memory_space<vmem>> -> memref<1x800x32xf32, #tpu.memory_space<vmem>>
    %dma_start3A_439 = tpu.memref_squeeze %dma_start3A_438 : memref<1x800x32xf32, #tpu.memory_space<vmem>> -> memref<800x32xf32, #tpu.memory_space<vmem>>
    %dma_start3A_440 = arith.constant 0 : i32
    %dma_start3A_441 = tpu.memref_slice %arg5[%dma_start3A_434, %dma_start3A_440] : memref<4x800xi32, #tpu.memory_space<vmem>> -> memref<1x800xi32, #tpu.memory_space<vmem>>
    %dma_start3A_442 = tpu.memref_squeeze %dma_start3A_441 : memref<1x800xi32, #tpu.memory_space<vmem>> -> memref<800xi32, #tpu.memory_space<vmem>>
    %dma_start3A_443 = arith.constant 0 : i32
    %dma_start3A_444 = arith.constant 0 : i32
    %dma_start3A_445 = tpu.memref_slice %arg2[%dma_start3A_443, %dma_start3A_444] : memref<100000x32xf32, #tpu.memory_space<hbm>> -> memref<100000x32xf32, #tpu.memory_space<hbm>>
    tpu.enqueue_indirect_dma source(%dma_start3A_445 : memref<100000x32xf32, #tpu.memory_space<hbm>>) target(%dma_start3A_439 : memref<800x32xf32, #tpu.memory_space<vmem>>) offsets(%dma_start3A_442 : memref<800xi32, #tpu.memory_space<vmem>>) semaphore(%arg14 : memref<!tpu.dma_semaphore, #tpu.memory_space<semaphore_mem>>)
    %dma_wait3A_446 = arith.constant 0 : i32
    %dma_wait3A_447 = arith.constant 0 : i32
    %dma_wait3A_448 = arith.constant 0 : i32
    %dma_wait3A_449 = arith.constant 0 : i32
    %dma_wait3A_450 = tpu.memref_slice %arg6[%dma_wait3A_447, %dma_wait3A_448, %dma_wait3A_449] : memref<4x800x32xf32, #tpu.memory_space<vmem>> -> memref<1x800x32xf32, #tpu.memory_space<vmem>>
    %dma_wait3A_451 = tpu.memref_squeeze %dma_wait3A_450 : memref<1x800x32xf32, #tpu.memory_space<vmem>> -> memref<800x32xf32, #tpu.memory_space<vmem>>
    %dma_wait3A_452 = arith.constant 0 : i32
    %dma_wait3A_453 = tpu.memref_slice %arg5[%dma_wait3A_446, %dma_wait3A_452] : memref<4x800xi32, #tpu.memory_space<vmem>> -> memref<1x800xi32, #tpu.memory_space<vmem>>
    %dma_wait3A_454 = tpu.memref_squeeze %dma_wait3A_453 : memref<1x800xi32, #tpu.memory_space<vmem>> -> memref<800xi32, #tpu.memory_space<vmem>>
    %dma_wait3A_455 = arith.constant 0 : i32
    %dma_wait3A_456 = arith.constant 0 : i32
    %dma_wait3A_457 = tpu.memref_slice %arg2[%dma_wait3A_455, %dma_wait3A_456] : memref<100000x32xf32, #tpu.memory_space<hbm>> -> memref<100000x32xf32, #tpu.memory_space<hbm>>
    tpu.wait_indirect_dma semaphore(%arg11 : memref<!tpu.dma_semaphore, #tpu.memory_space<semaphore_mem>>) src(%dma_wait3A_457 : memref<100000x32xf32, #tpu.memory_space<hbm>>) dst(%dma_wait3A_451 : memref<800x32xf32, #tpu.memory_space<vmem>>)
    %add3A_458 = arith.constant 99200 : i32
    %add3A_459 = arith.addi %mul3A_2, %add3A_458 : i32
    %dma_start3A_460 = arith.constant 0 : i32
    %dma_start3A_461 = arith.constant 0 : i32
    %dma_start3A_462 = arith.constant 0 : i32
    %dma_start3A_463 = tpu.memref_slice %arg6[%dma_start3A_460, %dma_start3A_461, %dma_start3A_462] : memref<4x800x32xf32, #tpu.memory_space<vmem>> -> memref<1x800x32xf32, #tpu.memory_space<vmem>>
    %dma_start3A_464 = tpu.memref_squeeze %dma_start3A_463 : memref<1x800x32xf32, #tpu.memory_space<vmem>> -> memref<800x32xf32, #tpu.memory_space<vmem>>
    %dma_start3A_465 = arith.constant 0 : i32
    %dma_start3A_466 = tpu.memref_slice %arg4[%add3A_459, %dma_start3A_465] : memref<3276800x32xf32, #tpu.memory_space<hbm>> -> memref<800x32xf32, #tpu.memory_space<hbm>>
    %dma_start3A_467 = arith.constant 0 : i32
    %dma_start3A_468 = tpu.memref_slice %arg4[%add3A_459, %dma_start3A_467] : memref<3276800x32xf32, #tpu.memory_space<hbm>> -> memref<800x32xf32, #tpu.memory_space<hbm>>
    %dma_start3A_469 = arith.constant 0 : i32
    %dma_start3A_470 = arith.constant 0 : i32
    %dma_start3A_471 = tpu.memref_slice %arg6[%dma_start3A_460, %dma_start3A_469, %dma_start3A_470] : memref<4x800x32xf32, #tpu.memory_space<vmem>> -> memref<1x800x32xf32, #tpu.memory_space<vmem>>
    %dma_start3A_472 = tpu.memref_squeeze %dma_start3A_471 : memref<1x800x32xf32, #tpu.memory_space<vmem>> -> memref<800x32xf32, #tpu.memory_space<vmem>>
    tpu.enqueue_dma source(%dma_start3A_472 : memref<800x32xf32, #tpu.memory_space<vmem>>) target(%dma_start3A_468 : memref<800x32xf32, #tpu.memory_space<hbm>>) target_semaphore(%arg15 : memref<!tpu.dma_semaphore, #tpu.memory_space<semaphore_mem>>)
    %dma_wait3A_473 = arith.constant 1 : i32
    %dma_wait3A_474 = arith.constant 1 : i32
    %dma_wait3A_475 = arith.constant 0 : i32
    %dma_wait3A_476 = arith.constant 0 : i32
    %dma_wait3A_477 = tpu.memref_slice %arg6[%dma_wait3A_474, %dma_wait3A_475, %dma_wait3A_476] : memref<4x800x32xf32, #tpu.memory_space<vmem>> -> memref<1x800x32xf32, #tpu.memory_space<vmem>>
    %dma_wait3A_478 = tpu.memref_squeeze %dma_wait3A_477 : memref<1x800x32xf32, #tpu.memory_space<vmem>> -> memref<800x32xf32, #tpu.memory_space<vmem>>
    %dma_wait3A_479 = arith.constant 0 : i32
    %dma_wait3A_480 = tpu.memref_slice %arg5[%dma_wait3A_473, %dma_wait3A_479] : memref<4x800xi32, #tpu.memory_space<vmem>> -> memref<1x800xi32, #tpu.memory_space<vmem>>
    %dma_wait3A_481 = tpu.memref_squeeze %dma_wait3A_480 : memref<1x800xi32, #tpu.memory_space<vmem>> -> memref<800xi32, #tpu.memory_space<vmem>>
    %dma_wait3A_482 = arith.constant 0 : i32
    %dma_wait3A_483 = arith.constant 0 : i32
    %dma_wait3A_484 = tpu.memref_slice %arg2[%dma_wait3A_482, %dma_wait3A_483] : memref<100000x32xf32, #tpu.memory_space<hbm>> -> memref<100000x32xf32, #tpu.memory_space<hbm>>
    tpu.wait_indirect_dma semaphore(%arg12 : memref<!tpu.dma_semaphore, #tpu.memory_space<semaphore_mem>>) src(%dma_wait3A_484 : memref<100000x32xf32, #tpu.memory_space<hbm>>) dst(%dma_wait3A_478 : memref<800x32xf32, #tpu.memory_space<vmem>>)
    %add3A_485 = arith.constant 100000 : i32
    %add3A_486 = arith.addi %mul3A_2, %add3A_485 : i32
    %dma_start3A_487 = arith.constant 1 : i32
    %dma_start3A_488 = arith.constant 0 : i32
    %dma_start3A_489 = arith.constant 0 : i32
    %dma_start3A_490 = tpu.memref_slice %arg6[%dma_start3A_487, %dma_start3A_488, %dma_start3A_489] : memref<4x800x32xf32, #tpu.memory_space<vmem>> -> memref<1x800x32xf32, #tpu.memory_space<vmem>>
    %dma_start3A_491 = tpu.memref_squeeze %dma_start3A_490 : memref<1x800x32xf32, #tpu.memory_space<vmem>> -> memref<800x32xf32, #tpu.memory_space<vmem>>
    %dma_start3A_492 = arith.constant 0 : i32
    %dma_start3A_493 = tpu.memref_slice %arg4[%add3A_486, %dma_start3A_492] : memref<3276800x32xf32, #tpu.memory_space<hbm>> -> memref<800x32xf32, #tpu.memory_space<hbm>>
    %dma_start3A_494 = arith.constant 0 : i32
    %dma_start3A_495 = tpu.memref_slice %arg4[%add3A_486, %dma_start3A_494] : memref<3276800x32xf32, #tpu.memory_space<hbm>> -> memref<800x32xf32, #tpu.memory_space<hbm>>
    %dma_start3A_496 = arith.constant 0 : i32
    %dma_start3A_497 = arith.constant 0 : i32
    %dma_start3A_498 = tpu.memref_slice %arg6[%dma_start3A_487, %dma_start3A_496, %dma_start3A_497] : memref<4x800x32xf32, #tpu.memory_space<vmem>> -> memref<1x800x32xf32, #tpu.memory_space<vmem>>
    %dma_start3A_499 = tpu.memref_squeeze %dma_start3A_498 : memref<1x800x32xf32, #tpu.memory_space<vmem>> -> memref<800x32xf32, #tpu.memory_space<vmem>>
    tpu.enqueue_dma source(%dma_start3A_499 : memref<800x32xf32, #tpu.memory_space<vmem>>) target(%dma_start3A_495 : memref<800x32xf32, #tpu.memory_space<hbm>>) target_semaphore(%arg16 : memref<!tpu.dma_semaphore, #tpu.memory_space<semaphore_mem>>)
    %dma_wait3A_500 = arith.constant 2 : i32
    %dma_wait3A_501 = arith.constant 2 : i32
    %dma_wait3A_502 = arith.constant 0 : i32
    %dma_wait3A_503 = arith.constant 0 : i32
    %dma_wait3A_504 = tpu.memref_slice %arg6[%dma_wait3A_501, %dma_wait3A_502, %dma_wait3A_503] : memref<4x800x32xf32, #tpu.memory_space<vmem>> -> memref<1x800x32xf32, #tpu.memory_space<vmem>>
    %dma_wait3A_505 = tpu.memref_squeeze %dma_wait3A_504 : memref<1x800x32xf32, #tpu.memory_space<vmem>> -> memref<800x32xf32, #tpu.memory_space<vmem>>
    %dma_wait3A_506 = arith.constant 0 : i32
    %dma_wait3A_507 = tpu.memref_slice %arg5[%dma_wait3A_500, %dma_wait3A_506] : memref<4x800xi32, #tpu.memory_space<vmem>> -> memref<1x800xi32, #tpu.memory_space<vmem>>
    %dma_wait3A_508 = tpu.memref_squeeze %dma_wait3A_507 : memref<1x800xi32, #tpu.memory_space<vmem>> -> memref<800xi32, #tpu.memory_space<vmem>>
    %dma_wait3A_509 = arith.constant 0 : i32
    %dma_wait3A_510 = arith.constant 0 : i32
    %dma_wait3A_511 = tpu.memref_slice %arg2[%dma_wait3A_509, %dma_wait3A_510] : memref<100000x32xf32, #tpu.memory_space<hbm>> -> memref<100000x32xf32, #tpu.memory_space<hbm>>
    tpu.wait_indirect_dma semaphore(%arg13 : memref<!tpu.dma_semaphore, #tpu.memory_space<semaphore_mem>>) src(%dma_wait3A_511 : memref<100000x32xf32, #tpu.memory_space<hbm>>) dst(%dma_wait3A_505 : memref<800x32xf32, #tpu.memory_space<vmem>>)
    %add3A_512 = arith.constant 100800 : i32
    %add3A_513 = arith.addi %mul3A_2, %add3A_512 : i32
    %dma_start3A_514 = arith.constant 2 : i32
    %dma_start3A_515 = arith.constant 0 : i32
    %dma_start3A_516 = arith.constant 0 : i32
    %dma_start3A_517 = tpu.memref_slice %arg6[%dma_start3A_514, %dma_start3A_515, %dma_start3A_516] : memref<4x800x32xf32, #tpu.memory_space<vmem>> -> memref<1x800x32xf32, #tpu.memory_space<vmem>>
    %dma_start3A_518 = tpu.memref_squeeze %dma_start3A_517 : memref<1x800x32xf32, #tpu.memory_space<vmem>> -> memref<800x32xf32, #tpu.memory_space<vmem>>
    %dma_start3A_519 = arith.constant 0 : i32
    %dma_start3A_520 = tpu.memref_slice %arg4[%add3A_513, %dma_start3A_519] : memref<3276800x32xf32, #tpu.memory_space<hbm>> -> memref<800x32xf32, #tpu.memory_space<hbm>>
    %dma_start3A_521 = arith.constant 0 : i32
    %dma_start3A_522 = tpu.memref_slice %arg4[%add3A_513, %dma_start3A_521] : memref<3276800x32xf32, #tpu.memory_space<hbm>> -> memref<800x32xf32, #tpu.memory_space<hbm>>
    %dma_start3A_523 = arith.constant 0 : i32
    %dma_start3A_524 = arith.constant 0 : i32
    %dma_start3A_525 = tpu.memref_slice %arg6[%dma_start3A_514, %dma_start3A_523, %dma_start3A_524] : memref<4x800x32xf32, #tpu.memory_space<vmem>> -> memref<1x800x32xf32, #tpu.memory_space<vmem>>
    %dma_start3A_526 = tpu.memref_squeeze %dma_start3A_525 : memref<1x800x32xf32, #tpu.memory_space<vmem>> -> memref<800x32xf32, #tpu.memory_space<vmem>>
    tpu.enqueue_dma source(%dma_start3A_526 : memref<800x32xf32, #tpu.memory_space<vmem>>) target(%dma_start3A_522 : memref<800x32xf32, #tpu.memory_space<hbm>>) target_semaphore(%arg17 : memref<!tpu.dma_semaphore, #tpu.memory_space<semaphore_mem>>)
    %dma_wait3A_527 = arith.constant 3 : i32
    %dma_wait3A_528 = arith.constant 3 : i32
    %dma_wait3A_529 = arith.constant 0 : i32
    %dma_wait3A_530 = arith.constant 0 : i32
    %dma_wait3A_531 = tpu.memref_slice %arg6[%dma_wait3A_528, %dma_wait3A_529, %dma_wait3A_530] : memref<4x800x32xf32, #tpu.memory_space<vmem>> -> memref<1x800x32xf32, #tpu.memory_space<vmem>>
    %dma_wait3A_532 = tpu.memref_squeeze %dma_wait3A_531 : memref<1x800x32xf32, #tpu.memory_space<vmem>> -> memref<800x32xf32, #tpu.memory_space<vmem>>
    %dma_wait3A_533 = arith.constant 0 : i32
    %dma_wait3A_534 = tpu.memref_slice %arg5[%dma_wait3A_527, %dma_wait3A_533] : memref<4x800xi32, #tpu.memory_space<vmem>> -> memref<1x800xi32, #tpu.memory_space<vmem>>
    %dma_wait3A_535 = tpu.memref_squeeze %dma_wait3A_534 : memref<1x800xi32, #tpu.memory_space<vmem>> -> memref<800xi32, #tpu.memory_space<vmem>>
    %dma_wait3A_536 = arith.constant 0 : i32
    %dma_wait3A_537 = arith.constant 0 : i32
    %dma_wait3A_538 = tpu.memref_slice %arg2[%dma_wait3A_536, %dma_wait3A_537] : memref<100000x32xf32, #tpu.memory_space<hbm>> -> memref<100000x32xf32, #tpu.memory_space<hbm>>
    tpu.wait_indirect_dma semaphore(%arg14 : memref<!tpu.dma_semaphore, #tpu.memory_space<semaphore_mem>>) src(%dma_wait3A_538 : memref<100000x32xf32, #tpu.memory_space<hbm>>) dst(%dma_wait3A_532 : memref<800x32xf32, #tpu.memory_space<vmem>>)
    %add3A_539 = arith.constant 101600 : i32
    %add3A_540 = arith.addi %mul3A_2, %add3A_539 : i32
    %dma_start3A_541 = arith.constant 3 : i32
    %dma_start3A_542 = arith.constant 0 : i32
    %dma_start3A_543 = arith.constant 0 : i32
    %dma_start3A_544 = tpu.memref_slice %arg6[%dma_start3A_541, %dma_start3A_542, %dma_start3A_543] : memref<4x800x32xf32, #tpu.memory_space<vmem>> -> memref<1x800x32xf32, #tpu.memory_space<vmem>>
    %dma_start3A_545 = tpu.memref_squeeze %dma_start3A_544 : memref<1x800x32xf32, #tpu.memory_space<vmem>> -> memref<800x32xf32, #tpu.memory_space<vmem>>
    %dma_start3A_546 = arith.constant 0 : i32
    %dma_start3A_547 = tpu.memref_slice %arg4[%add3A_540, %dma_start3A_546] : memref<3276800x32xf32, #tpu.memory_space<hbm>> -> memref<800x32xf32, #tpu.memory_space<hbm>>
    %dma_start3A_548 = arith.constant 0 : i32
    %dma_start3A_549 = tpu.memref_slice %arg4[%add3A_540, %dma_start3A_548] : memref<3276800x32xf32, #tpu.memory_space<hbm>> -> memref<800x32xf32, #tpu.memory_space<hbm>>
    %dma_start3A_550 = arith.constant 0 : i32
    %dma_start3A_551 = arith.constant 0 : i32
    %dma_start3A_552 = tpu.memref_slice %arg6[%dma_start3A_541, %dma_start3A_550, %dma_start3A_551] : memref<4x800x32xf32, #tpu.memory_space<vmem>> -> memref<1x800x32xf32, #tpu.memory_space<vmem>>
    %dma_start3A_553 = tpu.memref_squeeze %dma_start3A_552 : memref<1x800x32xf32, #tpu.memory_space<vmem>> -> memref<800x32xf32, #tpu.memory_space<vmem>>
    tpu.enqueue_dma source(%dma_start3A_553 : memref<800x32xf32, #tpu.memory_space<vmem>>) target(%dma_start3A_549 : memref<800x32xf32, #tpu.memory_space<hbm>>) target_semaphore(%arg18 : memref<!tpu.dma_semaphore, #tpu.memory_space<semaphore_mem>>)
    %add3A_554 = arith.constant 99200 : i32
    %add3A_555 = arith.addi %mul3A_2, %add3A_554 : i32
    %dma_wait3A_556 = arith.constant 0 : i32
    %dma_wait3A_557 = arith.constant 0 : i32
    %dma_wait3A_558 = arith.constant 0 : i32
    %dma_wait3A_559 = tpu.memref_slice %arg6[%dma_wait3A_556, %dma_wait3A_557, %dma_wait3A_558] : memref<4x800x32xf32, #tpu.memory_space<vmem>> -> memref<1x800x32xf32, #tpu.memory_space<vmem>>
    %dma_wait3A_560 = tpu.memref_squeeze %dma_wait3A_559 : memref<1x800x32xf32, #tpu.memory_space<vmem>> -> memref<800x32xf32, #tpu.memory_space<vmem>>
    %dma_wait3A_561 = arith.constant 0 : i32
    %dma_wait3A_562 = tpu.memref_slice %arg4[%add3A_555, %dma_wait3A_561] : memref<3276800x32xf32, #tpu.memory_space<hbm>> -> memref<800x32xf32, #tpu.memory_space<hbm>>
    %dma_wait3A_563 = arith.constant 0 : i32
    %dma_wait3A_564 = tpu.memref_slice %arg4[%add3A_555, %dma_wait3A_563] : memref<3276800x32xf32, #tpu.memory_space<hbm>> -> memref<800x32xf32, #tpu.memory_space<hbm>>
    %dma_wait3A_565 = arith.constant 0 : i32
    %dma_wait3A_566 = arith.constant 0 : i32
    %dma_wait3A_567 = tpu.memref_slice %arg6[%dma_wait3A_556, %dma_wait3A_565, %dma_wait3A_566] : memref<4x800x32xf32, #tpu.memory_space<vmem>> -> memref<1x800x32xf32, #tpu.memory_space<vmem>>
    %dma_wait3A_568 = tpu.memref_squeeze %dma_wait3A_567 : memref<1x800x32xf32, #tpu.memory_space<vmem>> -> memref<800x32xf32, #tpu.memory_space<vmem>>
    tpu.wait_dma2 semaphore(%arg15 : memref<!tpu.dma_semaphore, #tpu.memory_space<semaphore_mem>>) src(%dma_wait3A_568 : memref<800x32xf32, #tpu.memory_space<vmem>>) dst(%dma_wait3A_564 : memref<800x32xf32, #tpu.memory_space<hbm>>)
    %add3A_569 = arith.constant 100000 : i32
    %add3A_570 = arith.addi %mul3A_2, %add3A_569 : i32
    %dma_wait3A_571 = arith.constant 1 : i32
    %dma_wait3A_572 = arith.constant 0 : i32
    %dma_wait3A_573 = arith.constant 0 : i32
    %dma_wait3A_574 = tpu.memref_slice %arg6[%dma_wait3A_571, %dma_wait3A_572, %dma_wait3A_573] : memref<4x800x32xf32, #tpu.memory_space<vmem>> -> memref<1x800x32xf32, #tpu.memory_space<vmem>>
    %dma_wait3A_575 = tpu.memref_squeeze %dma_wait3A_574 : memref<1x800x32xf32, #tpu.memory_space<vmem>> -> memref<800x32xf32, #tpu.memory_space<vmem>>
    %dma_wait3A_576 = arith.constant 0 : i32
    %dma_wait3A_577 = tpu.memref_slice %arg4[%add3A_570, %dma_wait3A_576] : memref<3276800x32xf32, #tpu.memory_space<hbm>> -> memref<800x32xf32, #tpu.memory_space<hbm>>
    %dma_wait3A_578 = arith.constant 0 : i32
    %dma_wait3A_579 = tpu.memref_slice %arg4[%add3A_570, %dma_wait3A_578] : memref<3276800x32xf32, #tpu.memory_space<hbm>> -> memref<800x32xf32, #tpu.memory_space<hbm>>
    %dma_wait3A_580 = arith.constant 0 : i32
    %dma_wait3A_581 = arith.constant 0 : i32
    %dma_wait3A_582 = tpu.memref_slice %arg6[%dma_wait3A_571, %dma_wait3A_580, %dma_wait3A_581] : memref<4x800x32xf32, #tpu.memory_space<vmem>> -> memref<1x800x32xf32, #tpu.memory_space<vmem>>
    %dma_wait3A_583 = tpu.memref_squeeze %dma_wait3A_582 : memref<1x800x32xf32, #tpu.memory_space<vmem>> -> memref<800x32xf32, #tpu.memory_space<vmem>>
    tpu.wait_dma2 semaphore(%arg16 : memref<!tpu.dma_semaphore, #tpu.memory_space<semaphore_mem>>) src(%dma_wait3A_583 : memref<800x32xf32, #tpu.memory_space<vmem>>) dst(%dma_wait3A_579 : memref<800x32xf32, #tpu.memory_space<hbm>>)
    %add3A_584 = arith.constant 100800 : i32
    %add3A_585 = arith.addi %mul3A_2, %add3A_584 : i32
    %dma_wait3A_586 = arith.constant 2 : i32
    %dma_wait3A_587 = arith.constant 0 : i32
    %dma_wait3A_588 = arith.constant 0 : i32
    %dma_wait3A_589 = tpu.memref_slice %arg6[%dma_wait3A_586, %dma_wait3A_587, %dma_wait3A_588] : memref<4x800x32xf32, #tpu.memory_space<vmem>> -> memref<1x800x32xf32, #tpu.memory_space<vmem>>
    %dma_wait3A_590 = tpu.memref_squeeze %dma_wait3A_589 : memref<1x800x32xf32, #tpu.memory_space<vmem>> -> memref<800x32xf32, #tpu.memory_space<vmem>>
    %dma_wait3A_591 = arith.constant 0 : i32
    %dma_wait3A_592 = tpu.memref_slice %arg4[%add3A_585, %dma_wait3A_591] : memref<3276800x32xf32, #tpu.memory_space<hbm>> -> memref<800x32xf32, #tpu.memory_space<hbm>>
    %dma_wait3A_593 = arith.constant 0 : i32
    %dma_wait3A_594 = tpu.memref_slice %arg4[%add3A_585, %dma_wait3A_593] : memref<3276800x32xf32, #tpu.memory_space<hbm>> -> memref<800x32xf32, #tpu.memory_space<hbm>>
    %dma_wait3A_595 = arith.constant 0 : i32
    %dma_wait3A_596 = arith.constant 0 : i32
    %dma_wait3A_597 = tpu.memref_slice %arg6[%dma_wait3A_586, %dma_wait3A_595, %dma_wait3A_596] : memref<4x800x32xf32, #tpu.memory_space<vmem>> -> memref<1x800x32xf32, #tpu.memory_space<vmem>>
    %dma_wait3A_598 = tpu.memref_squeeze %dma_wait3A_597 : memref<1x800x32xf32, #tpu.memory_space<vmem>> -> memref<800x32xf32, #tpu.memory_space<vmem>>
    tpu.wait_dma2 semaphore(%arg17 : memref<!tpu.dma_semaphore, #tpu.memory_space<semaphore_mem>>) src(%dma_wait3A_598 : memref<800x32xf32, #tpu.memory_space<vmem>>) dst(%dma_wait3A_594 : memref<800x32xf32, #tpu.memory_space<hbm>>)
    %add3A_599 = arith.constant 101600 : i32
    %add3A_600 = arith.addi %mul3A_2, %add3A_599 : i32
    %dma_wait3A_601 = arith.constant 3 : i32
    %dma_wait3A_602 = arith.constant 0 : i32
    %dma_wait3A_603 = arith.constant 0 : i32
    %dma_wait3A_604 = tpu.memref_slice %arg6[%dma_wait3A_601, %dma_wait3A_602, %dma_wait3A_603] : memref<4x800x32xf32, #tpu.memory_space<vmem>> -> memref<1x800x32xf32, #tpu.memory_space<vmem>>
    %dma_wait3A_605 = tpu.memref_squeeze %dma_wait3A_604 : memref<1x800x32xf32, #tpu.memory_space<vmem>> -> memref<800x32xf32, #tpu.memory_space<vmem>>
    %dma_wait3A_606 = arith.constant 0 : i32
    %dma_wait3A_607 = tpu.memref_slice %arg4[%add3A_600, %dma_wait3A_606] : memref<3276800x32xf32, #tpu.memory_space<hbm>> -> memref<800x32xf32, #tpu.memory_space<hbm>>
    %dma_wait3A_608 = arith.constant 0 : i32
    %dma_wait3A_609 = tpu.memref_slice %arg4[%add3A_600, %dma_wait3A_608] : memref<3276800x32xf32, #tpu.memory_space<hbm>> -> memref<800x32xf32, #tpu.memory_space<hbm>>
    %dma_wait3A_610 = arith.constant 0 : i32
    %dma_wait3A_611 = arith.constant 0 : i32
    %dma_wait3A_612 = tpu.memref_slice %arg6[%dma_wait3A_601, %dma_wait3A_610, %dma_wait3A_611] : memref<4x800x32xf32, #tpu.memory_space<vmem>> -> memref<1x800x32xf32, #tpu.memory_space<vmem>>
    %dma_wait3A_613 = tpu.memref_squeeze %dma_wait3A_612 : memref<1x800x32xf32, #tpu.memory_space<vmem>> -> memref<800x32xf32, #tpu.memory_space<vmem>>
    tpu.wait_dma2 semaphore(%arg18 : memref<!tpu.dma_semaphore, #tpu.memory_space<semaphore_mem>>) src(%dma_wait3A_613 : memref<800x32xf32, #tpu.memory_space<vmem>>) dst(%dma_wait3A_609 : memref<800x32xf32, #tpu.memory_space<hbm>>)
    return
  }
}

</mosaic_0001>

<sc_bundles>
// kernel: kernel.3.cloned.1.call-start
scs
__scs_entry_jumppad:
0x0: {  	(pc) =	sbr.rel $0x88, $3  }
0x1: {  	(tag) =	ssettag $0x0;
	lr =	simm.s32 $0x1  }
0x2: {  	[smem:$0x3F9F] =	sst lr;
	_ =	strace $0xD0000000  }
0x3: {  	_ = 	snop  }
0x4: {  	_ = 	snop  }
0x5: {  	_ = 	snop  }
0x6: {  	_ = 	snop  }
0x7: {  	_ = 	snop  }
__scs_overlays_trampoline_lowered:
0x8: {  	[smem:$0x3FAE] =	sst s0  }
0x9: {  	[smem:$0x3FAF] =	sst s1  }
0xa: {  	[smem:$0x3FB0] =	sst s2  }
0xb: {  	[smem:$0x3FB1] =	sst s3  }
0xc: {  	[smem:$0x3FB2] =	sst s4  }
0xd: {  	[smem:$0x3FB3] =	sst s5  }
0xe: {  	[smem:$0x3FB4] =	sst s6  }
0xf: {  	[smem:$0x3FB5] =	sst s7  }
0x10: {  	[smem:$0x3FB6] =	sst s8  }
0x11: {  	[smem:$0x3FB7] =	sst s9;
	s0 =	simm.s32 @!p0 $0x0  }
0x12: {  	s1 =	sld [smem:$0x3F9D];
	s0 =	simm.s32 @p0 $0x1  }
0x13: {  	[smem:$0x3FB8] =	sst s0;
	s0 =	simm.s32 @!p1 $0x0  }
0x14: {  	s2 =	sld [smem:$0x3F9C];
	s0 =	simm.s32 @p1 $0x1  }
0x15: {  	[smem:$0x3FB9] =	sst s0;
	s0 =	simm.s32 @!p2 $0x0  }
0x16: {  	s3 =	sld [smem:$0x3FDB];
	s0 =	simm.s32 @p2 $0x1  }
0x17: {  	s4 =	simm.s32 $0x1BF5;
	[smem:$0x3FBB] =	sst s0  }
0x18: {  	s0 =	sld [smem:$0x3F9E];
	_ =	swait.ge [sflag:s4], $0x0  }
0x19: {  	s7 =	sld [smem:$0x3F9F]  }
0x1a: {  	s8 =	sadd.s32 $0xFFFFE003, lr  }
0x1b: {  	s9 =	sadd.s32 $0xFFFFFEF7, lr;
	s5 =	simm.s32 $0xFFFFFFFF;
	p2 =	slt.u32 s8, $0xFFFFF086  }
0x1c: {  	p1 =	slt.u32 s9, $0xF7A;
	s5 =	simm.s32 @!p2 $0x0  }
0x1d: {  	s5 =	simm.s32 @p1 $0x1;
	p0 =	seq.s32 s7, s2  }
0x1e: {  	s7 =	smul.u32 @!p0 $0xF7A, s2;
	p2 =	seq.s32 @!p0 s5, $0x0  }
0x1f: {  	s9 =	smul.u32 $0xF7A, s1;
	s8 =	simm.s32 @!p0 $0x1BF5;
	p2 =	por !p2, p0  }
0x20: {  	[sflag:s8] =	ssyncset.s32 @!p0 $0xFFFFF086;
	s6 =	sadd.s32 @!p0 s3, s7;
	s7 =	simm.s32 @!p0 $0x108  }
0x21: {  	s3 =	sadd.s32 s3, s9;
	s6 =	sadd.s32 @!p0 $0x88, s6;
	s7 =	simm.s32 @p2 $0x1082  }
0x22: {  	[simem:s7], [sflag:s8] =	dma.local @!p0 [hbm:s6], $0xF7A  }
0x23: {  	s9 =	sor.u32 $0xD0000000, s2;
	s6 =	simm.s32 $0x108;
	_ =	swait.ge @!p0 [sflag:s8], $0x0  }
0x24: {  	s3 =	sadd.s32 $0x88, s3;
	s6 =	simm.s32 @!p1 $0x1082;
	[sflag:s4] =	ssyncset.s32 $0xFFFFF086  }
0x25: {  	[simem:s6], [sflag:s4] =	dma.local [hbm:s3], $0xF7A  }
0x26: {  	[smem:$0x3F9F] =	sst s1;
	(tag) =	ssettag s2;
	_ =	strace s9  }
0x27: {  	s1 =	sld [smem:$0x3FAF]  }
0x28: {  	s2 =	sld [smem:$0x3FB0]  }
0x29: {  	s4 =	sld [smem:$0x3FB2]  }
0x2a: {  	p0 =	seq.s32 s5, $0x0;
	s5 =	sld [smem:$0x3FB3]  }
0x2b: {  	s6 =	sld [smem:$0x3FB4]  }
0x2c: {  	s7 =	sld [smem:$0x3FB5]  }
0x2d: {  	s3 =	simm.s32 $0x108;
	s8 =	sld [smem:$0x3FB6]  }
0x2e: {  	s3 =	simm.s32 @!p0 $0x1082;
	s9 =	sld [smem:$0x3FB7]  }
0x2f: {  	lr =	sadd.s32 s0, s3;
	s0 =	sld [smem:$0x3FAE]  }
0x30: {  	s3 =	sld [smem:$0x3FB1]  }
0x31: {  	[smem:$0x3FBA] =	sst s10  }
0x32: {  	s10 =	sld [smem:$0x3FB8];
	_ =	sdelay $0x3  }
0x33: {  	p0 =	seq.s32 s10, $0x1;
	s10 =	sld [smem:$0x3FBA];
	_ =	sdelay $0x3  }
0x34: {  	[smem:$0x3FBA] =	sst s10  }
0x35: {  	s10 =	sld [smem:$0x3FB9];
	_ =	sdelay $0x3  }
0x36: {  	p1 =	seq.s32 s10, $0x1;
	s10 =	sld [smem:$0x3FBA];
	_ =	sdelay $0x3  }
0x37: {  	[smem:$0x3FBA] =	sst s10  }
0x38: {  	s10 =	sld [smem:$0x3FBB]  }
0x39: {  	_ = 	snop;
	(pc) =	sbr.ind lr, $3  }
0x3a: {  	_ = 	snop  }
0x3b: {  	_ = 	snop  }
0x3c: {  	p2 =	seq.s32 s10, $0x1;
	s10 =	sld [smem:$0x3FBA]  }
0x3d: {  	_ =	shalt  }
0x3e: {  	_ =	shalt  }
0x3f: {  	_ =	shalt  }
0x40: {  	_ =	shalt  }
0x41: {  	_ =	shalt  }
0x42: {  	_ =	shalt  }
0x43: {  	_ =	shalt  }
0x44: {  	_ =	shalt  }
0x45: {  	_ =	shalt  }
0x46: {  	_ =	shalt  }
0x47: {  	_ =	shalt  }
0x48: {  	_ =	shalt  }
0x49: {  	_ =	shalt  }
0x4a: {  	_ =	shalt  }
0x4b: {  	_ =	shalt  }
0x4c: {  	_ =	shalt  }
0x4d: {  	_ =	shalt  }
0x4e: {  	_ =	shalt  }
0x4f: {  	_ =	shalt  }
0x50: {  	_ =	shalt  }
0x51: {  	_ =	shalt  }
0x52: {  	_ =	shalt  }
0x53: {  	_ =	shalt  }
0x54: {  	_ =	shalt  }
0x55: {  	_ =	shalt  }
0x56: {  	_ =	shalt  }
0x57: {  	_ =	shalt  }
0x58: {  	_ =	shalt  }
0x59: {  	_ =	shalt  }
0x5a: {  	_ =	shalt  }
0x5b: {  	_ =	shalt  }
0x5c: {  	_ =	shalt  }
0x5d: {  	_ =	shalt  }
0x5e: {  	_ =	shalt  }
0x5f: {  	_ =	shalt  }
0x60: {  	_ =	shalt  }
0x61: {  	_ =	shalt  }
0x62: {  	_ =	shalt  }
0x63: {  	_ =	shalt  }
0x64: {  	_ =	shalt  }
0x65: {  	_ =	shalt  }
0x66: {  	_ =	shalt  }
0x67: {  	_ =	shalt  }
0x68: {  	_ =	shalt  }
0x69: {  	_ =	shalt  }
0x6a: {  	_ =	shalt  }
0x6b: {  	_ =	shalt  }
0x6c: {  	_ =	shalt  }
0x6d: {  	_ =	shalt  }
0x6e: {  	_ =	shalt  }
0x6f: {  	_ =	shalt  }
0x70: {  	_ =	shalt  }
0x71: {  	_ =	shalt  }
0x72: {  	_ =	shalt  }
0x73: {  	_ =	shalt  }
0x74: {  	_ =	shalt  }
0x75: {  	_ =	shalt  }
0x76: {  	_ =	shalt  }
0x77: {  	_ =	shalt  }
0x78: {  	_ =	shalt  }
0x79: {  	_ =	shalt  }
0x7a: {  	_ =	shalt  }
0x7b: {  	_ =	shalt  }
0x7c: {  	_ =	shalt  }
0x7d: {  	_ =	shalt  }
0x7e: {  	_ =	shalt  }
0x7f: {  	_ =	shalt  }
0x80: {  	_ =	shalt  }
0x81: {  	_ =	shalt  }
0x82: {  	_ =	shalt  }
0x83: {  	_ =	shalt  }
0x84: {  	_ =	shalt  }
0x85: {  	_ =	shalt  }
0x86: {  	_ =	shalt  }
0x87: {  	_ =	shalt  }
.Lfunc_end0:
.L_simem_size_0:
called_computation.1_lowered:
.L_overlay_start_0:
0x88: {  	s2 =	sld [smem:$0x3FD9]  }
0x89: {  	s3 =	sld [smem:$0x3FFE];
	_ =	sdelay $0x1  }
0x8a: {  	s1 =	srdreg.scid  }
0x8b: {  	s0 =	sand.u32 $0x1, s1  }
0x8c: {  	s17 =	sshll.u32 s0, $0xA;
	s2 =	sadd.s32 s3, s2  }
0x8d: {  	s2 =	sadd.s32 s2, s17  }
0x8e: {  	[smem:$0x3FC6] =	sst s2  }
0x8f: {  	_ = 	snop  }
0x90: {  	s2 =	sld [smem:$0x3FD0];
	(tm) =	ssettm $0x1  }
0x91: {  	s18 =	sld [smem:$0x3FFB];
	_ =	sdelay $0x3  }
0x92: {  	_ =	strace s18  }
0x93: {  	s3 =	sld [smem:$0x3FFC];
	_ =	sdelay $0x3  }
0x94: {  	_ =	strace s3  }
0x95: {  	s3 =	sld [smem:$0x3FFD];
	_ =	sdelay $0x3  }
0x96: {  	_ =	strace s3  }
0x97: {  	_ =	strace $0x8FFFFFFF  }
0x98: {  	s19 =	sld [smem:$0x3FDB];
	_ =	sdelay $0x1  }
0x99: {  	s4 =	simm.s32 $_scs_section_size  }
0x9a: {  	s5 =	simm.s32 $_size__tile_overlayer_lowered;
	s6 =	simm.s32 $_tile_overlayer_lowered  }
0x9b: {  	s22 =	simm.s32 $0x1BFF;
	s21 =	sshll.u32 s6, $0x1;
	s3 =	sadd.s32 s4, s19  }
0x9c: {  	s7 =	simm.s32 $0x0;
	s20 =	sshll.u32 s5, $0x1;
	s5 =	sadd.s32 s21, s3  }
0x9d: {  	[timem:s7], [sflag:s22] =	dma.local [hbm:s5], s20  }
0x9e: {  	_ =	swait.ge [sflag:s22], s20  }
0x9f: {  	s4 =	ssub.s32 $0x0, s20;
	[sflag:s22] =	ssyncset.done $0x0  }
0xa0: {  	[sflag:s22] =	ssyncadd.s32 s4;
	_ =	sdelay $0x1  }
0xa1: {  	s23 =	simm.s32 $0x1B8B  }
0xa2: {  	_ =	swait.ge [sflag:s23], $0x1  }
0xa3: {  	[sflag:s23] =	ssyncset.done $0x0  }
0xa4: {  	s25 =	simm.s32 $0x1B8E;
	s24 =	sld [smem:$0x3FFE];
	[sflag:s23] =	ssyncadd.s32 $0xFFFFFFFF  }
0xa5: {  	s26 =	simm.s32 $execute0_lowered;
	[smem:$0x3FD2] =	sst s25  }
0xa6: {  	s5 =	sshll.u32 s26, $0x1;
	_ =	strace $0x80000046;
	[dreg:$0x1] =	wrdreg $0xFFFFFFFF  }
0xa7: {  	s28 =	simm.s32 $_size_execute0_lowered;
	s3 =	sadd.s32 s3, s5;
	[dreg:$0x0] =	wrdreg $0x0  }
0xa8: {  	s5 =	sshll.u32 s28, $0x1;
	[dreg:$0x2] =	wrdreg s3  }
0xa9: {  	[dreg:$0x3] =	wrdreg s5  }
0xaa: {  	[dreg:$0x4] =	wrdreg $0xC0  }
0xab: {  	_ =	task [dreg:s7], $0x5FFFF  }
0xac: {  	[dreg:$0x1] =	wrdreg $0xFFFFFFFF  }
0xad: {  	[dreg:$0x0] =	wrdreg $0x60  }
0xae: {  	[dreg:$0x2] =	wrdreg s24  }
0xaf: {  	[dreg:$0x3] =	wrdreg s2  }
0xb0: {  	[dreg:$0x4] =	wrdreg $0x9  }
0xb1: {  	_ =	task.clear_ibuf [dreg:s7], $0x5FFFF;
	_ =	strace $0x90000046  }
0xb2: {  	s29 =	simm.s32 $0x9;
	_ =	strace $0x80000048  }
0xb3: {  	_ =	swait.ge [sflag:s29], $0x1  }
0xb4: {  	[sflag:s29] =	ssyncadd.s32 $0xFFFFFFFF  }
0xb5: {  	_ =	strace $0x90000048  }
0xb6: {  	_ =	sfence  }
0xb7: {  	s30 =	sld [smem:$0x0];
	_ =	sdelay $0x2  }
0xb8: {  	s31 =	sshll.u32 s1, $0xD;
	s1 =	sshrl.u32 s1, $0x2  }
0xb9: {  	s3 =	sand.u32 $0x4000, s31;
	s1 =	sadd.s32 s1, s30  }
0xba: {  	s0 =	sor.u32 s3, s0;
	s1 =	sshll.u32 s1, $0x11  }
0xbb: {  	s0 =	sor.u32 s1, s0  }
0xbc: {  	s0 =	sadd.s32 $0x8F2B, s0  }
0xbd: {  	[sflag:s0] =	ssyncadd.remote.s32 $0x1  }
0xbe: {  	_ =	sfence.sel $0xFFFF  }
0xbf: {  	[dreg:$0x0] =	wrdreg $0xFFFFFFFF;
	(pc) =	sbr.abs _section_cstart, $3  }
0xc0: {  	[dreg:$0x1] =	wrdreg $0xFFFFFFFF  }
0xc1: {  	_ =	task.clear_ibuf [dreg:s7], $0x2FFFF;
	_ =	strace $0x9FFFFFFF  }
0xc2: {  	(tm) =	ssettm $0x7FFFFFFF  }
0xc3: {  	_ =	shalt  }
tec
execute0_lowered:
.L_overlay_start_1:
0x0: {  	(tag) =	ssettag $0x1  }
0x1: {  	s1 =	rddreg [dreg:$0x0]  }
0x2: {  	s0 =	rddreg [dreg:$0x1];
	s3 =	srdreg.scid  }
0x3: {  	s13 =	stileid.u32;
	s2 =	simm.s32 $0x0;
	s28 =	simm.s32 $0x960  }
0x4: {  	s29 =	simm.s32 $0x1;
	s30 =	simm.s32 $0xC80;
	s31 =	simm.s32 $0x2  }
0x5: {  	s4 =	sand.u32 $0x1, s3;
	s16 =	sshll.u32 s13, $0x1;
	s25 =	smul.u32 $0x32000, s13  }
0x6: {  	s5 =	sor.u32 s4, s16;
	s7 =	ssub.s32 $0x2, s4;
	s4 =	smul.u32 $0x19000, s4  }
0x7: {  	[smem:$0x7FF] =	sst s2;
	s3 =	sadd.s32 $0x65800, s1;
	s6 =	smul.u32 $0x19000, s5  }
0x8: {  	s1 =	sadd.s32 $0x1800, s1;
	s8 =	sshrl.u32 s7, $0x1;
	s11 =	smul.u32 $0x64000, s5  }
0x9: {  	_ =	strace $0x80000047;
	s5 =	smul.u32 $0x320000, s5;
	s7 =	ssub.s32 s7, s8  }
0xa: {  	s4 =	sadd.s32 s4, s25;
	s9 =	sshrl.u32 s6, $0x3;
	s10 =	sor.u32 $0x320, s6  }
0xb: {  	s18 =	sor.u32 $0x640, s6;
	s6 =	sor.u32 $0x960, s6;
	s21 =	sadd.s32 s0, s11  }
0xc: {  	s5 =	sshrl.u32 s5, $0x3;
	s16 =	sadd.s32 $0x1F40, s4;
	s14 =	sadd.s32 s1, s9  }
0xd: {  	s17 =	sshrl.u32 s10, $0x3;
	s19 =	sshrl.u32 s18, $0x3;
	[dreg:$0xb] =	wrdreg s21  }
0xe: {  	s12 =	sshrl.u32 s6, $0x3;
	s8 =	sadd.s32 s1, s17;
	[dreg:$0x7] =	wrdreg s14  }
0xf: {  	s23 =	sshll.u32 s10, $0x2;
	s20 =	sadd.s32 s1, s12;
	[dreg:$0x8] =	wrdreg s8  }
0x10: {  	s24 =	sshll.u32 s18, $0x2;
	s22 =	sadd.s32 $0x190, s14;
	[dreg:$0xa] =	wrdreg s20  }
0x11: {  	s6 =	sshll.u32 s6, $0x2;
	s26 =	sadd.s32 $0x1F4, s14;
	[dreg:$0xc] =	wrdreg s22  }
0x12: {  	s5 =	sadd.s32 s0, s5;
	s11 =	sadd.s32 $0x258, s14;
	[dreg:$0xe] =	wrdreg s26  }
0x13: {  	s21 =	sadd.s32 $0x1900, s4;
	s6 =	sadd.s32 s0, s6;
	[dreg:$0x10] =	wrdreg s11  }
0x14: {  	s9 =	simm.s32 $0x6;
	s12 =	sadd.s32 $0x2BC, s14;
	[dreg:$0x11] =	wrdreg s6  }
0x15: {  	s10 =	simm.s32 $0x7;
	s13 =	sadd.s32 $0x60E00, s5;
	[dreg:$0x12] =	wrdreg s12  }
0x16: {  	s14 =	sadd.s32 $0x2260, s4;
	s15 =	sadd.s32 $0x61A80, s5;
	[dreg:$0x13] =	wrdreg s13  }
0x17: {  	s17 =	sadd.s32 $0x62700, s5;
	s5 =	sadd.s32 $0x63380, s5;
	[dreg:$0x14] =	wrdreg s15  }
0x18: {  	s8 =	sadd.s32 s1, s19;
	s6 =	sshrl.u32 s14, $0x3;
	[dreg:$0x15] =	wrdreg s17  }
0x19: {  	s19 =	sadd.s32 $0x1C20, s4;
	[dreg:$0x16] =	wrdreg s5;
	s4 =	sshll.u32 s4, $0x2  }
0x1a: {  	s5 =	simm.s32 $0xD480;
	s11 =	simm.s32 $0x8;
	s12 =	simm.s32 $0x9  }
0x1b: {  	s13 =	simm.s32 $0xA;
	s14 =	simm.s32 $0xB;
	s15 =	simm.s32 $0xC  }
0x1c: {  	[dreg:$0x9] =	wrdreg s8;
	s8 =	sadd.s32 s0, s23;
	s6 =	sadd.s32 s6, s1  }
0x1d: {  	s20 =	sshrl.u32 s19, $0x3;
	s23 =	sshrl.u32 s21, $0x3;
	[dreg:$0xd] =	wrdreg s8  }
0x1e: {  	s8 =	sadd.s32 s0, s24;
	[dreg:$0x3] =	wrdreg s6;
	s22 =	sadd.s32 s20, s1  }
0x1f: {  	s24 =	smax.u32 s7, $0x1;
	s0 =	sadd.s32 s4, s0;
	[dreg:$0xf] =	wrdreg s8  }
0x20: {  	s6 =	simm.s32 $0x4;
	s7 =	simm.s32 $0x13880;
	[dreg:$0x5] =	wrdreg s22  }
0x21: {  	s8 =	sshrl.u32 s16, $0x3;
	[dreg:$0x17] =	wrdreg s24;
	s25 =	sadd.s32 $0x5780, s0  }
0x22: {  	s26 =	sadd.s32 $0x4B00, s0;
	s24 =	sadd.s32 $0x3200, s0;
	s16 =	simm.s32 $0x0  }
0x23: {  	s18 =	sadd.s32 s8, s1;
	s1 =	sadd.s32 s23, s1;
	[dreg:$0x18] =	wrdreg s25  }
0x24: {  	[dreg:$0x19] =	wrdreg s26;
	s23 =	sadd.s32 $0x3E80, s0;
	s25 =	simm.s32 $0x320  }
0x25: {  	s26 =	simm.s32 $0x640;
	s0 =	simm.s32 $0x7080;
	[dreg:$0x4] =	wrdreg s18  }
0x26: {  	s8 =	simm.s32 $0x5;
	[dreg:$0x6] =	wrdreg s1;
	s1 =	simm.s32 $0x3  }
.LBB2_1:
0x27: {  	s4 =	rddreg [dreg:$0x7]  }
0x28: {  	[tilespmem:s2], [sflag:$0x1] =	stream.linear.gather [hbm4b:s4+s2], $0x320, $0x38;
	[tilespmem:$0x19C80] =	vst v63  }
0x29: {  	s19 =	rddreg [dreg:$0x8]  }
0x2a: {  	[tilespmem:s25], [sflag:$0x2] =	stream.linear.gather [hbm4b:s19+s2], $0x320, $0x38;
	[tilespmem:$0x19C80] =	vst v63  }
0x2b: {  	s20 =	rddreg [dreg:$0x9]  }
0x2c: {  	[tilespmem:s26], [sflag:$0x3] =	stream.linear.gather [hbm4b:s20+s2], $0x320, $0x38;
	[tilespmem:$0x19C80] =	vst v63  }
0x2d: {  	s21 =	rddreg [dreg:$0xa]  }
0x2e: {  	[tilespmem:s28], [sflag:$0x4] =	stream.linear.gather [hbm4b:s21+s2], $0x320, $0x38;
	[tilespmem:$0x19C80] =	vst v63  }
0x2f: {  	_ =	swait.ge [sflag:s29], $0x320  }
0x30: {  	[sflag:s29] =	ssyncset.done $0x0  }
0x31: {  	[sflag:s29] =	ssyncadd.s32 $0xFFFFFCE0  }
0x32: {  	[tilespmem:s30], [sflag:$0x5] =	stream.indirect.gather [hbm4b:s3+s25], $0x20, s2, s25, $0xb8;
	[tilespmem:$0x19C80] =	vst v63  }
0x33: {  	_ =	swait.ge [sflag:s31], $0x320  }
0x34: {  	[sflag:s31] =	ssyncset.done $0x0  }
0x35: {  	[sflag:s31] =	ssyncadd.s32 $0xFFFFFCE0  }
0x36: {  	[tilespmem:s0], [sflag:$0x6] =	stream.indirect.gather [hbm4b:s3+s25], $0x20, s25, s25, $0xb8;
	[tilespmem:$0x19C80] =	vst v63  }
0x37: {  	_ =	swait.ge [sflag:s1], $0x320  }
0x38: {  	[sflag:s1] =	ssyncset.done $0x0  }
0x39: {  	[sflag:s1] =	ssyncadd.s32 $0xFFFFFCE0  }
0x3a: {  	[tilespmem:s5], [sflag:$0x7] =	stream.indirect.gather [hbm4b:s3+s25], $0x20, s26, s25, $0xb8;
	[tilespmem:$0x19C80] =	vst v63  }
0x3b: {  	_ =	swait.ge [sflag:s6], $0x320  }
0x3c: {  	[sflag:s6] =	ssyncset.done $0x0  }
0x3d: {  	[sflag:s6] =	ssyncadd.s32 $0xFFFFFCE0  }
0x3e: {  	[tilespmem:s7], [sflag:$0x8] =	stream.indirect.gather [hbm4b:s3+s25], $0x20, s28, s25, $0xb8;
	[tilespmem:$0x19C80] =	vst v63  }
0x3f: {  	_ =	swait.ge [sflag:s8], $0x6400  }
0x40: {  	[sflag:s8] =	ssyncset.done $0x0  }
0x41: {  	s22 =	rddreg [dreg:$0xb];
	[sflag:s8] =	ssyncadd.s32 $0xFFFF9C00  }
0x42: {  	[hbm4b:s22+s2] =	stream.linear.scatter [tilespmem:s30], [sflag:$0x9], $0x6400, $0x38;
	[tilespmem:$0x19C80] =	vst v63  }
0x43: {  	s17 =	rddreg [dreg:$0xc]  }
0x44: {  	[tilespmem:s2], [sflag:$0x1] =	stream.linear.gather [hbm4b:s17+s2], $0x320, $0x38;
	[tilespmem:$0x19C80] =	vst v63  }
0x45: {  	_ =	swait.ge [sflag:s9], $0x6400  }
0x46: {  	[sflag:s9] =	ssyncset.done $0x0  }
0x47: {  	s18 =	rddreg [dreg:$0xd];
	[sflag:s9] =	ssyncadd.s32 $0xFFFF9C00  }
0x48: {  	[hbm4b:s18+s2] =	stream.linear.scatter [tilespmem:s0], [sflag:$0xA], $0x6400, $0x38;
	[tilespmem:$0x19C80] =	vst v63  }
0x49: {  	s19 =	rddreg [dreg:$0xe]  }
0x4a: {  	[tilespmem:s25], [sflag:$0x2] =	stream.linear.gather [hbm4b:s19+s2], $0x320, $0x38;
	[tilespmem:$0x19C80] =	vst v63  }
0x4b: {  	_ =	swait.ge [sflag:s10], $0x6400  }
0x4c: {  	[sflag:s10] =	ssyncset.done $0x0  }
0x4d: {  	s20 =	rddreg [dreg:$0xf];
	[sflag:s10] =	ssyncadd.s32 $0xFFFF9C00  }
0x4e: {  	[hbm4b:s20+s2] =	stream.linear.scatter [tilespmem:s5], [sflag:$0xB], $0x6400, $0x38;
	[tilespmem:$0x19C80] =	vst v63  }
0x4f: {  	s21 =	rddreg [dreg:$0x10]  }
0x50: {  	[tilespmem:s26], [sflag:$0x3] =	stream.linear.gather [hbm4b:s21+s2], $0x320, $0x38;
	[tilespmem:$0x19C80] =	vst v63  }
0x51: {  	_ =	swait.ge [sflag:s11], $0x6400  }
0x52: {  	[sflag:s11] =	ssyncset.done $0x0  }
0x53: {  	s22 =	rddreg [dreg:$0x11];
	[sflag:s11] =	ssyncadd.s32 $0xFFFF9C00  }
0x54: {  	[hbm4b:s22+s2] =	stream.linear.scatter [tilespmem:s7], [sflag:$0xC], $0x6400, $0x38;
	[tilespmem:$0x19C80] =	vst v63  }
0x55: {  	s17 =	rddreg [dreg:$0x12]  }
0x56: {  	[tilespmem:s28], [sflag:$0x4] =	stream.linear.gather [hbm4b:s17+s2], $0x320, $0x38;
	[tilespmem:$0x19C80] =	vst v63  }
0x57: {  	_ =	swait.ge [sflag:s12], $0x6400  }
0x58: {  	[sflag:s12] =	ssyncset.done $0x0  }
0x59: {  	[sflag:s12] =	ssyncadd.s32 $0xFFFF9C00  }
0x5a: {  	_ =	swait.ge [sflag:s29], $0x320  }
0x5b: {  	[sflag:s29] =	ssyncset.done $0x0  }
0x5c: {  	[sflag:s29] =	ssyncadd.s32 $0xFFFFFCE0  }
0x5d: {  	[tilespmem:s30], [sflag:$0x5] =	stream.indirect.gather [hbm4b:s3+s25], $0x20, s2, s25, $0xb8;
	[tilespmem:$0x19C80] =	vst v63  }
0x5e: {  	_ =	swait.ge [sflag:s13], $0x6400  }
0x5f: {  	[sflag:s13] =	ssyncset.done $0x0  }
0x60: {  	[sflag:s13] =	ssyncadd.s32 $0xFFFF9C00  }
0x61: {  	_ =	swait.ge [sflag:s31], $0x320  }
0x62: {  	[sflag:s31] =	ssyncset.done $0x0  }
0x63: {  	[sflag:s31] =	ssyncadd.s32 $0xFFFFFCE0  }
0x64: {  	[tilespmem:s0], [sflag:$0x6] =	stream.indirect.gather [hbm4b:s3+s25], $0x20, s25, s25, $0xb8;
	[tilespmem:$0x19C80] =	vst v63  }
0x65: {  	_ =	swait.ge [sflag:s14], $0x6400  }
0x66: {  	[sflag:s14] =	ssyncset.done $0x0  }
0x67: {  	[sflag:s14] =	ssyncadd.s32 $0xFFFF9C00  }
0x68: {  	_ =	swait.ge [sflag:s1], $0x320  }
0x69: {  	[sflag:s1] =	ssyncset.done $0x0  }
0x6a: {  	[sflag:s1] =	ssyncadd.s32 $0xFFFFFCE0  }
0x6b: {  	[tilespmem:s5], [sflag:$0x7] =	stream.indirect.gather [hbm4b:s3+s25], $0x20, s26, s25, $0xb8;
	[tilespmem:$0x19C80] =	vst v63  }
0x6c: {  	_ =	swait.ge [sflag:s15], $0x6400  }
0x6d: {  	[sflag:s15] =	ssyncset.done $0x0  }
0x6e: {  	[sflag:s15] =	ssyncadd.s32 $0xFFFF9C00  }
0x6f: {  	_ =	swait.ge [sflag:s6], $0x320  }
0x70: {  	[sflag:s6] =	ssyncset.done $0x0  }
0x71: {  	[sflag:s6] =	ssyncadd.s32 $0xFFFFFCE0  }
0x72: {  	[tilespmem:s7], [sflag:$0x8] =	stream.indirect.gather [hbm4b:s3+s25], $0x20, s28, s25, $0xb8;
	[tilespmem:$0x19C80] =	vst v63  }
0x73: {  	_ =	swait.ge [sflag:s8], $0x6400  }
0x74: {  	[sflag:s8] =	ssyncset.done $0x0  }
0x75: {  	s18 =	rddreg [dreg:$0x6];
	[sflag:s8] =	ssyncadd.s32 $0xFFFF9C00  }
0x76: {  	[hbm4b:s24+s2] =	stream.linear.scatter [tilespmem:s30], [sflag:$0x9], $0x6400, $0x38;
	[tilespmem:$0x19C80] =	vst v63  }
0x77: {  	s4 =	sadd.s32 $0x0, s18  }
0x78: {  	[tilespmem:s2], [sflag:$0x1] =	stream.linear.gather [hbm4b:s4+s2], $0x320, $0x38;
	[tilespmem:$0x19C80] =	vst v63  }
0x79: {  	_ =	swait.ge [sflag:s9], $0x6400  }
0x7a: {  	[sflag:s9] =	ssyncset.done $0x0  }
0x7b: {  	s19 =	rddreg [dreg:$0x5];
	[sflag:s9] =	ssyncadd.s32 $0xFFFF9C00  }
0x7c: {  	[hbm4b:s23+s2] =	stream.linear.scatter [tilespmem:s0], [sflag:$0xA], $0x6400, $0x38;
	[tilespmem:$0x19C80] =	vst v63  }
0x7d: {  	s4 =	sadd.s32 $0x0, s19  }
0x7e: {  	[tilespmem:s25], [sflag:$0x2] =	stream.linear.gather [hbm4b:s4+s2], $0x320, $0x38;
	[tilespmem:$0x19C80] =	vst v63  }
0x7f: {  	_ =	swait.ge [sflag:s10], $0x6400  }
0x80: {  	[sflag:s10] =	ssyncset.done $0x0;
	s20 =	rddreg [dreg:$0x4]  }
0x81: {  	s22 =	rddreg [dreg:$0x19];
	[sflag:s10] =	ssyncadd.s32 $0xFFFF9C00  }
0x82: {  	[hbm4b:s22+s2] =	stream.linear.scatter [tilespmem:s5], [sflag:$0xB], $0x6400, $0x38;
	[tilespmem:$0x19C80] =	vst v63  }
0x83: {  	s4 =	sadd.s32 $0x0, s20  }
0x84: {  	[tilespmem:s26], [sflag:$0x3] =	stream.linear.gather [hbm4b:s4+s2], $0x320, $0x38;
	[tilespmem:$0x19C80] =	vst v63  }
0x85: {  	s17 =	simm.s32 $0x190;
	_ =	swait.ge [sflag:s11], $0x6400  }
0x86: {  	s18 =	sadd.s32 $0x3200, s23;
	[sflag:s11] =	ssyncset.done $0x0;
	s21 =	rddreg [dreg:$0x3]  }
0x87: {  	s19 =	sadd.s32 $0x3200, s24;
	s20 =	rddreg [dreg:$0x18];
	[sflag:s11] =	ssyncadd.s32 $0xFFFF9C00  }
0x88: {  	[hbm4b:s20+s2] =	stream.linear.scatter [tilespmem:s7], [sflag:$0xC], $0x6400, $0x38;
	[tilespmem:$0x19C80] =	vst v63  }
0x89: {  	s21 =	sadd.s32 $0x0, s21;
	s4 =	sadd.s32 $0x3200, s20;
	s20 =	sadd.s32 $0x3200, s22  }
.LBB2_2:
0x8a: {  	[tilespmem:s28], [sflag:$0x4] =	stream.linear.gather [hbm4b:s21+s2], $0x320, $0x38;
	[tilespmem:$0x19C80] =	vst v63  }
0x8b: {  	_ =	swait.ge [sflag:s12], $0x6400  }
0x8c: {  	[sflag:s12] =	ssyncset.done $0x0  }
0x8d: {  	[sflag:s12] =	ssyncadd.s32 $0xFFFF9C00  }
0x8e: {  	_ =	swait.ge [sflag:s29], $0x320  }
0x8f: {  	[sflag:s29] =	ssyncset.done $0x0  }
0x90: {  	[sflag:s29] =	ssyncadd.s32 $0xFFFFFCE0  }
0x91: {  	[tilespmem:s30], [sflag:$0x5] =	stream.indirect.gather [hbm4b:s3+s25], $0x20, s2, s25, $0xb8;
	[tilespmem:$0x19C80] =	vst v63  }
0x92: {  	_ =	swait.ge [sflag:s13], $0x6400  }
0x93: {  	[sflag:s13] =	ssyncset.done $0x0  }
0x94: {  	[sflag:s13] =	ssyncadd.s32 $0xFFFF9C00  }
0x95: {  	_ =	swait.ge [sflag:s31], $0x320  }
0x96: {  	[sflag:s31] =	ssyncset.done $0x0  }
0x97: {  	[sflag:s31] =	ssyncadd.s32 $0xFFFFFCE0  }
0x98: {  	[tilespmem:s0], [sflag:$0x6] =	stream.indirect.gather [hbm4b:s3+s25], $0x20, s25, s25, $0xb8;
	[tilespmem:$0x19C80] =	vst v63  }
0x99: {  	_ =	swait.ge [sflag:s14], $0x6400  }
0x9a: {  	[sflag:s14] =	ssyncset.done $0x0  }
0x9b: {  	[sflag:s14] =	ssyncadd.s32 $0xFFFF9C00  }
0x9c: {  	_ =	swait.ge [sflag:s1], $0x320  }
0x9d: {  	[sflag:s1] =	ssyncset.done $0x0  }
0x9e: {  	[sflag:s1] =	ssyncadd.s32 $0xFFFFFCE0  }
0x9f: {  	[tilespmem:s5], [sflag:$0x7] =	stream.indirect.gather [hbm4b:s3+s25], $0x20, s26, s25, $0xb8;
	[tilespmem:$0x19C80] =	vst v63  }
0xa0: {  	_ =	swait.ge [sflag:s15], $0x6400  }
0xa1: {  	[sflag:s15] =	ssyncset.done $0x0  }
0xa2: {  	[sflag:s15] =	ssyncadd.s32 $0xFFFF9C00  }
0xa3: {  	_ =	swait.ge [sflag:s6], $0x320  }
0xa4: {  	[sflag:s6] =	ssyncset.done $0x0  }
0xa5: {  	[sflag:s6] =	ssyncadd.s32 $0xFFFFFCE0  }
0xa6: {  	[tilespmem:s7], [sflag:$0x8] =	stream.indirect.gather [hbm4b:s3+s25], $0x20, s28, s25, $0xb8;
	[tilespmem:$0x19C80] =	vst v63  }
0xa7: {  	_ =	swait.ge [sflag:s8], $0x6400  }
0xa8: {  	[sflag:s8] =	ssyncset.done $0x0  }
0xa9: {  	s21 =	smov.u32 s17;
	s22 =	rddreg [dreg:$0x6];
	[sflag:s8] =	ssyncadd.s32 $0xFFFF9C00  }
0xaa: {  	[hbm4b:s19+s2] =	stream.linear.scatter [tilespmem:s30], [sflag:$0x9], $0x6400, $0x38;
	[tilespmem:$0x19C80] =	vst v63  }
0xab: {  	s22 =	sadd.s32 s21, s22  }
0xac: {  	[tilespmem:s2], [sflag:$0x1] =	stream.linear.gather [hbm4b:s22+s2], $0x320, $0x38;
	[tilespmem:$0x19C80] =	vst v63  }
0xad: {  	_ =	swait.ge [sflag:s9], $0x6400  }
0xae: {  	[sflag:s9] =	ssyncset.done $0x0  }
0xaf: {  	s22 =	rddreg [dreg:$0x5];
	[sflag:s9] =	ssyncadd.s32 $0xFFFF9C00  }
0xb0: {  	[hbm4b:s18+s2] =	stream.linear.scatter [tilespmem:s0], [sflag:$0xA], $0x6400, $0x38;
	[tilespmem:$0x19C80] =	vst v63  }
0xb1: {  	s22 =	sadd.s32 s21, s22  }
0xb2: {  	[tilespmem:s25], [sflag:$0x2] =	stream.linear.gather [hbm4b:s22+s2], $0x320, $0x38;
	[tilespmem:$0x19C80] =	vst v63  }
0xb3: {  	_ =	swait.ge [sflag:s10], $0x6400  }
0xb4: {  	[sflag:s10] =	ssyncset.done $0x0  }
0xb5: {  	s22 =	rddreg [dreg:$0x4];
	[sflag:s10] =	ssyncadd.s32 $0xFFFF9C00  }
0xb6: {  	[hbm4b:s20+s2] =	stream.linear.scatter [tilespmem:s5], [sflag:$0xB], $0x6400, $0x38;
	[tilespmem:$0x19C80] =	vst v63  }
0xb7: {  	p0 =	sne.s32 s17, $0x2D50;
	s22 =	sadd.s32 s21, s22  }
0xb8: {  	[tilespmem:s26], [sflag:$0x3] =	stream.linear.gather [hbm4b:s22+s2], $0x320, $0x38;
	[tilespmem:$0x19C80] =	vst v63  }
.Ltmp0:
0xb9: {  	_ =	swait.ge [sflag:s11], $0x6400;
	(pc) =	sbr.rel @p0 .LBB2_2-.Ltmp0, $4  }
0xba: {  	s17 =	sadd.s32 $0x190, s17;
	s19 =	sadd.s32 $0x3200, s19;
	[sflag:s11] =	ssyncset.done $0x0  }
0xbb: {  	s18 =	sadd.s32 $0x3200, s18;
	s22 =	rddreg [dreg:$0x3];
	[sflag:s11] =	ssyncadd.s32 $0xFFFF9C00  }
0xbc: {  	[hbm4b:s4+s2] =	stream.linear.scatter [tilespmem:s7], [sflag:$0xC], $0x6400, $0x38;
	[tilespmem:$0x19C80] =	vst v63  }
0xbd: {  	s20 =	sadd.s32 $0x3200, s20;
	s21 =	sadd.s32 s21, s22;
	s4 =	sadd.s32 $0x3200, s4  }
0xbe: {  	[tilespmem:s28], [sflag:$0x4] =	stream.linear.gather [hbm4b:s21+s2], $0x320, $0x38;
	[tilespmem:$0x19C80] =	vst v63  }
0xbf: {  	_ =	swait.ge [sflag:s12], $0x6400  }
0xc0: {  	[sflag:s12] =	ssyncset.done $0x0  }
0xc1: {  	[sflag:s12] =	ssyncadd.s32 $0xFFFF9C00  }
0xc2: {  	_ =	swait.ge [sflag:s29], $0x320  }
0xc3: {  	[sflag:s29] =	ssyncset.done $0x0  }
0xc4: {  	[sflag:s29] =	ssyncadd.s32 $0xFFFFFCE0  }
0xc5: {  	[tilespmem:s30], [sflag:$0x5] =	stream.indirect.gather [hbm4b:s3+s25], $0x20, s2, s25, $0xb8;
	[tilespmem:$0x19C80] =	vst v63  }
0xc6: {  	_ =	swait.ge [sflag:s13], $0x6400  }
0xc7: {  	[sflag:s13] =	ssyncset.done $0x0  }
0xc8: {  	[sflag:s13] =	ssyncadd.s32 $0xFFFF9C00  }
0xc9: {  	_ =	swait.ge [sflag:s31], $0x320  }
0xca: {  	[sflag:s31] =	ssyncset.done $0x0  }
0xcb: {  	[sflag:s31] =	ssyncadd.s32 $0xFFFFFCE0  }
0xcc: {  	[tilespmem:s0], [sflag:$0x6] =	stream.indirect.gather [hbm4b:s3+s25], $0x20, s25, s25, $0xb8;
	[tilespmem:$0x19C80] =	vst v63  }
0xcd: {  	_ =	swait.ge [sflag:s14], $0x6400  }
0xce: {  	[sflag:s14] =	ssyncset.done $0x0  }
0xcf: {  	[sflag:s14] =	ssyncadd.s32 $0xFFFF9C00  }
0xd0: {  	_ =	swait.ge [sflag:s1], $0x320  }
0xd1: {  	[sflag:s1] =	ssyncset.done $0x0  }
0xd2: {  	[sflag:s1] =	ssyncadd.s32 $0xFFFFFCE0  }
0xd3: {  	[tilespmem:s5], [sflag:$0x7] =	stream.indirect.gather [hbm4b:s3+s25], $0x20, s26, s25, $0xb8;
	[tilespmem:$0x19C80] =	vst v63  }
0xd4: {  	_ =	swait.ge [sflag:s15], $0x6400  }
0xd5: {  	[sflag:s15] =	ssyncset.done $0x0  }
0xd6: {  	[sflag:s15] =	ssyncadd.s32 $0xFFFF9C00  }
0xd7: {  	_ =	swait.ge [sflag:s6], $0x320  }
0xd8: {  	[sflag:s6] =	ssyncset.done $0x0  }
0xd9: {  	[sflag:s6] =	ssyncadd.s32 $0xFFFFFCE0  }
0xda: {  	[tilespmem:s7], [sflag:$0x8] =	stream.indirect.gather [hbm4b:s3+s25], $0x20, s28, s25, $0xb8;
	[tilespmem:$0x19C80] =	vst v63  }
0xdb: {  	_ =	swait.ge [sflag:s8], $0x6400  }
0xdc: {  	[sflag:s8] =	ssyncset.done $0x0  }
0xdd: {  	s4 =	rddreg [dreg:$0x13];
	[sflag:s8] =	ssyncadd.s32 $0xFFFF9C00  }
0xde: {  	[hbm4b:s4+s2] =	stream.linear.scatter [tilespmem:s30], [sflag:$0x9], $0x6400, $0x38;
	[tilespmem:$0x19C80] =	vst v63  }
0xdf: {  	_ =	swait.ge [sflag:s9], $0x6400  }
0xe0: {  	[sflag:s9] =	ssyncset.done $0x0  }
0xe1: {  	s19 =	rddreg [dreg:$0x14];
	[sflag:s9] =	ssyncadd.s32 $0xFFFF9C00  }
0xe2: {  	[hbm4b:s19+s2] =	stream.linear.scatter [tilespmem:s0], [sflag:$0xA], $0x6400, $0x38;
	[tilespmem:$0x19C80] =	vst v63  }
0xe3: {  	_ =	swait.ge [sflag:s10], $0x6400  }
0xe4: {  	[sflag:s10] =	ssyncset.done $0x0  }
0xe5: {  	s20 =	rddreg [dreg:$0x15];
	[sflag:s10] =	ssyncadd.s32 $0xFFFF9C00  }
0xe6: {  	[hbm4b:s20+s2] =	stream.linear.scatter [tilespmem:s5], [sflag:$0xB], $0x6400, $0x38;
	[tilespmem:$0x19C80] =	vst v63  }
0xe7: {  	_ =	swait.ge [sflag:s11], $0x6400  }
0xe8: {  	[sflag:s11] =	ssyncset.done $0x0  }
0xe9: {  	s21 =	rddreg [dreg:$0x16];
	[sflag:s11] =	ssyncadd.s32 $0xFFFF9C00  }
0xea: {  	[hbm4b:s21+s2] =	stream.linear.scatter [tilespmem:s7], [sflag:$0xC], $0x6400, $0x38;
	[tilespmem:$0x19C80] =	vst v63  }
0xeb: {  	_ =	swait.ge [sflag:s12], $0x6400  }
0xec: {  	[sflag:s12] =	ssyncset.done $0x0  }
0xed: {  	[sflag:s12] =	ssyncadd.s32 $0xFFFF9C00  }
0xee: {  	_ =	swait.ge [sflag:s13], $0x6400  }
0xef: {  	[sflag:s13] =	ssyncset.done $0x0  }
0xf0: {  	[sflag:s13] =	ssyncadd.s32 $0xFFFF9C00  }
0xf1: {  	_ =	swait.ge [sflag:s14], $0x6400  }
0xf2: {  	[sflag:s14] =	ssyncset.done $0x0  }
0xf3: {  	[sflag:s14] =	ssyncadd.s32 $0xFFFF9C00  }
0xf4: {  	_ =	swait.ge [sflag:s15], $0x6400  }
0xf5: {  	s16 =	sadd.s32 $0x1, s16;
	s22 =	rddreg [dreg:$0x17]  }
0xf6: {  	p0 =	sne.s32 s16, s22  }
.Ltmp1:
0xf7: {  	_ = 	snop;
	(pc) =	sbr.rel @p0 .LBB2_1-.Ltmp1, $3  }
0xf8: {  	_ =	sdelay $0x1  }
0xf9: {  	[sflag:s15] =	ssyncset.done $0x0  }
0xfa: {  	[sflag:s15] =	ssyncadd.s32 $0xFFFF9C00  }
0xfb: {  	_ =	sfence.sel $0x180000  }
0xfc: {  	[bflag:$0x0] =	sbarrier.arrive $0xFFFF  }
0xfd: {  	_ =	strace $0x90000047  }
0xfe: {  	s0 =	stileid.u32;
	[bflag:$0x2] =	sbarrier.arrive $0xFFFF  }
0xff: {  	p0 =	sne.s32 s0, $0x0;
	s0 =	rddreg [dreg:$0x2]  }
0x100: {  	s0 =	sadd.s32 @!p0 $0x100000, s0  }
0x101: {  	[sflag:s0] =	ssyncadd.tile.s32 @!p0 $0x1;
	_ =	shalt  }
.Lfunc_end2:
_tile_overlayer_lowered:
.L_overlay_start_2:
0x102: {  	(tag) =	ssettag $0x2  }
0x103: {  	s0 =	rddreg [dreg:$0x0];
	s2 =	stileid.u32  }
0x104: {  	s1 =	rddreg [dreg:$0x1];
	p0 =	sne.s32 s2, $0x0  }
0x105: {  	s3 =	rddreg [dreg:$0x2];
	[bflag:$0x3] =	sbarrier.arrive $0xFFFF;
	s2 =	simm.s32 @!p0 $0x1C0D  }
0x106: {  	[timem:s3], [sflag:s2] =	dma.local @!p0 [hbm:s0], s1  }
0x107: {  	s0 =	simm.s32 @!p0 $0xD  }
0x108: {  	_ =	swait.ge @!p0 [sflag:s0], s1  }
0x109: {  	s1 =	ssub.s32 @!p0 $0x0, s1;
	[sflag:s0] =	ssyncset.done @!p0 $0x0  }
0x10a: {  	[sflag:s0] =	ssyncadd.s32 @!p0 s1  }
0x10b: {  	[bflag:$0x3] =	sbarrier.arrive $0xFFFF  }
0x10c: {  	_ =	shalt  }

// kernel: sparse-core-data-format-call.cloned.1.call-start
scs
called_computation_lowered:
.L_overlay_start_0:
0x0: {  	s2 =	sld [smem:$0x3FD9]  }
0x1: {  	s3 =	sld [smem:$0x3FFE];
	_ =	sdelay $0x1  }
0x2: {  	s1 =	srdreg.scid  }
0x3: {  	s0 =	sand.u32 $0x1, s1  }
0x4: {  	s18 =	sshll.u32 s0, $0xA;
	s2 =	sadd.s32 s3, s2  }
0x5: {  	s2 =	sadd.s32 s2, s18  }
0x6: {  	[smem:$0x3FC6] =	sst s2  }
0x7: {  	_ = 	snop  }
0x8: {  	s2 =	sld [smem:$0x3FD0];
	(tm) =	ssettm $0x1  }
0x9: {  	s19 =	sld [smem:$0x3FFB];
	_ =	sdelay $0x3  }
0xa: {  	_ =	strace s19  }
0xb: {  	s3 =	sld [smem:$0x3FFC];
	_ =	sdelay $0x3  }
0xc: {  	_ =	strace s3  }
0xd: {  	s3 =	sld [smem:$0x3FFD];
	_ =	sdelay $0x3  }
0xe: {  	_ =	strace s3  }
0xf: {  	_ =	strace $0x8FFFFFFF  }
0x10: {  	s20 =	sld [smem:$0x3FDB];
	_ =	sdelay $0x1  }
0x11: {  	s4 =	simm.s32 $_scs_section_size  }
0x12: {  	s5 =	simm.s32 $_size__tile_overlayer_lowered;
	s6 =	simm.s32 $_tile_overlayer_lowered  }
0x13: {  	s23 =	simm.s32 $0x1BFF;
	s22 =	sshll.u32 s6, $0x1;
	s3 =	sadd.s32 s4, s20  }
0x14: {  	s7 =	simm.s32 $0x0;
	s21 =	sshll.u32 s5, $0x1;
	s5 =	sadd.s32 s22, s3  }
0x15: {  	[timem:s7], [sflag:s23] =	dma.local [hbm:s5], s21  }
0x16: {  	_ =	swait.ge [sflag:s23], s21  }
0x17: {  	s4 =	ssub.s32 $0x0, s21;
	[sflag:s23] =	ssyncset.done $0x0  }
0x18: {  	[sflag:s23] =	ssyncadd.s32 s4;
	_ =	sdelay $0x1  }
0x19: {  	s24 =	simm.s32 $0x1B8B  }
0x1a: {  	_ =	swait.ge [sflag:s24], $0x1  }
0x1b: {  	[sflag:s24] =	ssyncset.done $0x0  }
0x1c: {  	s26 =	simm.s32 $0x1B8E;
	s25 =	sld [smem:$0x3FFE];
	[sflag:s24] =	ssyncadd.s32 $0xFFFFFFFF  }
0x1d: {  	s27 =	simm.s32 $execute0_lowered;
	[smem:$0x3FD2] =	sst s26  }
0x1e: {  	s5 =	sshll.u32 s27, $0x1;
	_ =	strace $0x80000049;
	[dreg:$0x1] =	wrdreg $0xFFFFFFFF  }
0x1f: {  	s28 =	simm.s32 $_size_execute0_lowered;
	s3 =	sadd.s32 s3, s5;
	[dreg:$0x0] =	wrdreg $0x0  }
0x20: {  	s5 =	sshll.u32 s28, $0x1;
	[dreg:$0x2] =	wrdreg s3  }
0x21: {  	[dreg:$0x3] =	wrdreg s5  }
0x22: {  	[dreg:$0x4] =	wrdreg $0xC0  }
0x23: {  	_ =	task [dreg:s7], $0x5FFFF  }
0x24: {  	[dreg:$0x1] =	wrdreg $0xFFFFFFFF  }
0x25: {  	[dreg:$0x0] =	wrdreg $0x60  }
0x26: {  	[dreg:$0x2] =	wrdreg s25  }
0x27: {  	[dreg:$0x3] =	wrdreg s2  }
0x28: {  	[dreg:$0x4] =	wrdreg $0x9  }
0x29: {  	_ =	task.clear_ibuf [dreg:s7], $0x5FFFF;
	_ =	strace $0x90000049  }
0x2a: {  	s29 =	simm.s32 $0x9;
	_ =	strace $0x8000004B  }
0x2b: {  	_ =	swait.ge [sflag:s29], $0x1  }
0x2c: {  	[sflag:s29] =	ssyncadd.s32 $0xFFFFFFFF  }
0x2d: {  	_ =	strace $0x9000004B  }
0x2e: {  	_ =	sfence  }
0x2f: {  	s30 =	sld [smem:$0x0];
	_ =	sdelay $0x2  }
0x30: {  	s31 =	sshll.u32 s1, $0xD;
	s1 =	sshrl.u32 s1, $0x2  }
0x31: {  	s3 =	sand.u32 $0x4000, s31;
	s1 =	sadd.s32 s1, s30  }
0x32: {  	s0 =	sor.u32 s3, s0;
	s1 =	sshll.u32 s1, $0x11  }
0x33: {  	s0 =	sor.u32 s1, s0  }
0x34: {  	s0 =	sadd.s32 $0x8F2B, s0  }
0x35: {  	[sflag:s0] =	ssyncadd.remote.s32 $0x1  }
0x36: {  	_ =	sfence.sel $0xFFFF  }
0x37: {  	[dreg:$0x0] =	wrdreg $0xFFFFFFFF;
	(pc) =	sbr.abs _section_cstart, $3  }
0x38: {  	[dreg:$0x1] =	wrdreg $0xFFFFFFFF  }
0x39: {  	_ =	task.clear_ibuf [dreg:s7], $0x2FFFF;
	_ =	strace $0x9FFFFFFF  }
0x3a: {  	(tm) =	ssettm $0x7FFFFFFF  }
0x3b: {  	_ =	shalt  }
tec
execute0_lowered:
.L_overlay_start_1:
0x0: {  	(tag) =	ssettag $0x1  }
0x1: {  	s0 =	srdreg.scid  }
0x2: {  	s1 =	sshll.u32 s0, $0x4  }
0x3: {  	s0 =	stileid.u32;
	s1 =	sand.u32 $0x10, s1  }
0x4: {  	s1 =	sor.u32 s0, s1  }
0x5: {  	s6 =	rddreg [dreg:$0x0];
	s4 =	simm.s32 $0x1;
	s2 =	sshll.u32 s1, $0x7  }
0x6: {  	s7 =	simm.s32 $0x2;
	s12 =	simm.s32 $0x0;
	s1 =	ssub.s32 $0x4000, s2  }
0x7: {  	s8 =	simm.s32 $0x20000;
	s13 =	simm.s32 $0x0;
	s3 =	sand.u32 $0xF80, s1  }
0x8: {  	s9 =	simm.s32 $0x0;
	s5 =	sshrl.u32 s1, $0xC;
	p0 =	sne.s32 s3, $0x0  }
.Ltmp0:
0x9: {  	s1 =	rddreg [dreg:$0x2];
	s4 =	simm.s32 @!p0 $0x0;
	(pc) =	sbr.rel .LBB1_1-.Ltmp0, $4  }
0xa: {  	s11 =	simm.s32 $0x0;
	s3 =	rddreg [dreg:$0x1];
	s5 =	sadd.s32 s4, s5  }
0xb: {  	_ =	strace $0x8000004A;
	s4 =	simm.s32 $0x1;
	s5 =	smul.u32 $0xC8, s5  }
0xc: {  	s6 =	sadd.s32 $0x1800, s6;
	s10 =	smov.u32 s2;
	[sflag:s4] =	ssyncpa.u1 $0x0  }
0xd: {  	p0 =	por $0x0, $0x0;
	[sflag:s7] =	ssyncpa.u1 $0x0;
	s7 =	sor.u32 $0x1, s5  }
.LBB1_4:
0xe: {  	s16 =	sshll.u32 s13, $0x3;
	s17 =	sand.u32 $0x78, s13  }
0xf: {  	s30 =	sand.u32 $0xF800, s13;
	s12 =	sshll.u32 s12, $0x10;
	s16 =	sand.u32 $0x3C00, s16  }
0x10: {  	s31 =	sand.u32 $0x7, s13;
	s16 =	sor.u32 s17, s16;
	s17 =	sadd.s32 s3, s30  }
0x11: {  	s13 =	sshll.u32 s31, $0x12;
	s16 =	sshrl.u32 s16, $0x3;
	s12 =	sadd.s32 s12, s17  }
0x12: {  	[tilespmem:s15+$0x0 ss:$0x81] =	vst.msk $0xffff, v0;
	s13 =	sor.u32 $0x400, s13;
	s12 =	sadd.s32 s16, s12  }
0x13: {  	[hbm4b:s12+s13] =	stream.strided.scatter [tilespmem:s14], [sflag:$0x2], $0x1000, s8, s13, $0x20;
	[tilespmem:$0x4040] =	vst v63  }
.LBB1_5:
0x14: {  	s14 =	sadd.s32 $0x1, s9  }
0x15: {  	s12 =	sadd.s32 $0x1000, s10;
	s16 =	smov.u32 s10;
	p2 =	sgt.s32 s14, $0xC7  }
0x16: {  	s16 =	smov.u32 @p2 s12  }
0x17: {  	s14 =	simm.s32 @p2 $0x0;
	p2 =	sgt.s32 s16, $0x3FFF  }
0x18: {  	s16 =	smov.u32 @p2 s2;
	p2 =	sne.s32 s11, s7  }
.Ltmp1:
0x19: {  	p1 =	slt.u32 s11, $0x2;
	(pc) =	sbr.rel @!p2 .LBB1_6-.Ltmp1, $4  }
0x1a: {  	s15 =	simm.s32 @!p1 $0x2  }
0x1b: {  	s13 =	smov.u32 s10;
	p0 =	por !p0, !p0;
	_ =	swait.ge @!p1 [sflag:s15], $0x1000  }
0x1c: {  	s12 =	smov.u32 s9;
	[sflag:s15] =	ssyncset.done @!p1 $0x0;
	s9 =	smov.u32 s14  }
0x1d: {  	s11 =	sadd.s32 $0x1, s11;
	[sflag:s15] =	ssyncadd.s32 @!p1 $0xFFFFF000;
	s10 =	smov.u32 s16  }
.LBB1_1:
0x1e: {  	p1 =	sge.u32 s11, s5  }
0x1f: {  	s14 =	sand.u32 @!p1 $0x1FFFFFF, s9  }
0x20: {  	s15 =	smulhi.u32 @!p1 $0x147AE15, s14;
	_ =	sdelay $0x1  }
0x21: {  	s15 =	smul.u32 @!p1 $0xC8, s15  }
0x22: {  	s16 =	sxor.u32 @!p1 $0xFFFFFFFF, s11;
	s17 =	smul.u32 @!p1 $0xC80, s10  }
0x23: {  	s31 =	sadd.s32 $0xFFFFFFFF, s11;
	s16 =	sshll.u32 @!p1 s16, $0xC;
	s14 =	ssub.s32 @!p1 s14, s15  }
0x24: {  	s15 =	sand.u32 @!p1 $0x1000, s16;
	s16 =	sadd.s32 @!p1 s6, s17;
	s14 =	sshll.u32 @!p1 s14, $0x4  }
0x25: {  	s17 =	simm.s32 @!p1 $0x6400;
	s14 =	sadd.s32 @!p1 s14, s16;
	s16 =	simm.s32 @!p1 $0x20  }
0x26: {  	[tilespmem:s15], [sflag:$0x1] =	stream.strided.gather @!p1 [hbm4b:s14+s16], $0x1000, s17, s16, $0x38;
	[tilespmem:$0x4040] =	vst v63  }
0x27: {  	p1 =	sge.u32 s31, s5  }
.Ltmp2:
0x28: {  	_ = 	snop;
	(pc) =	sbr.rel @p1 .LBB1_5-.Ltmp2, $1  }
0x29: {  	_ =	sdelay $0x3  }
0x2a: {  	s14 =	simm.s32 $0x1  }
0x2b: {  	_ =	swait.ge [sflag:s4], $0x1000;
	s14 =	simm.s32 @!p0 $0x0  }
0x2c: {  	[sflag:s4] =	ssyncset.done $0x0;
	s15 =	sshll.u32 s14, $0xC  }
0x2d: {  	[sflag:s4] =	ssyncadd.s32 $0xFFFFF000;
	s18 =	sor.u32 $0x10, s15  }
0x2e: {  	s14 =	smul.u32 $0x4080, s14;
	v1 =	vld [tilespmem:s18+$0x0]  }
0x2f: {  	s30 =	sand.u32 $0x1, s11;
	v0 =	vld [tilespmem:s18+$0xFFFFFFF0]  }
0x30: {  	s15 =	smul.u32 $0x4080, s30;
	s14 =	sshrl.u32 s14, $0x2  }
0x31: {  	s16 =	sor.u32 $0x2000, s14  }
0x32: {  	s31 =	sshrl.u32 s15, $0x2;
	s15 =	sadd.s32 $0x0, s16  }
0x33: {  	s17 =	simm.s32 $0x4;
	s18 =	sadd.s32 $0x20, s18;
	s14 =	sor.u32 $0x2000, s31;
	[tilespmem:s15+$0x810 ss:$0x81] =	vst.msk $0xffff, v1  }
.LBB1_3:
0x34: {  	v1 =	vld [tilespmem:s18+$0x0];
	p1 =	sne.s32 s17, $0x1FC;
	[tilespmem:s15+$0x0 ss:$0x81] =	vst.msk $0xffff, v0;
	s15 =	smov.u32 s17;
	s17 =	sadd.s32 $0x4, s17  }
.Ltmp3:
0x35: {  	v0 =	vld [tilespmem:s18+$0xFFFFFFF0];
	(pc) =	sbr.rel @p1 .LBB1_3-.Ltmp3, $4  }
0x36: {  	_ = 	snop  }
0x37: {  	s15 =	sshra.s32 s15, $0x2  }
0x38: {  	s15 =	sadd.s32 s15, s16  }
0x39: {  	s18 =	sadd.s32 $0x20, s18;
	[tilespmem:s15+$0x810 ss:$0x81] =	vst.msk $0xffff, v1  }
.Ltmp4:
0x3a: {  	_ = 	snop;
	(pc) =	sbr.rel .LBB1_4-.Ltmp4, $1  }
0x3b: {  	_ =	sdelay $0x3  }
.LBB1_6:
0x3c: {  	_ =	sfence.sel $0x180000  }
0x3d: {  	s2 =	simm.s32 $0x1;
	[bflag:$0x0] =	sbarrier.arrive $0xFFFF  }
0x3e: {  	s31 =	simm.s32 $0x2;
	[sflag:s2] =	ssyncpa.u1 $0x1  }
0x3f: {  	[sflag:s31] =	ssyncpa.u1 $0x1  }
0x40: {  	p0 =	sne.s32 s0, $0x0;
	_ =	strace $0x9000004A  }
0x41: {  	s0 =	sadd.s32 @!p0 $0x100000, s1;
	[bflag:$0x2] =	sbarrier.arrive $0xFFFF  }
0x42: {  	[sflag:s0] =	ssyncadd.tile.s32 @!p0 $0x1;
	_ =	shalt  }
.Lfunc_end1:
_tile_overlayer_lowered:
.L_overlay_start_2:
0x43: {  	(tag) =	ssettag $0x2  }
0x44: {  	s0 =	rddreg [dreg:$0x0];
	s2 =	stileid.u32  }
0x45: {  	s1 =	rddreg [dreg:$0x1];
	p0 =	sne.s32 s2, $0x0  }
0x46: {  	s3 =	rddreg [dreg:$0x2];
	[bflag:$0x3] =	sbarrier.arrive $0xFFFF;
	s2 =	simm.s32 @!p0 $0x1C01  }
0x47: {  	[timem:s3], [sflag:s2] =	dma.local @!p0 [hbm:s0], s1  }
0x48: {  	s0 =	simm.s32 @!p0 $0x1  }
0x49: {  	_ =	swait.ge @!p0 [sflag:s0], s1  }
0x4a: {  	s1 =	ssub.s32 @!p0 $0x0, s1;
	[sflag:s0] =	ssyncset.done @!p0 $0x0  }
0x4b: {  	[sflag:s0] =	ssyncadd.s32 @!p0 s1  }
0x4c: {  	[bflag:$0x3] =	sbarrier.arrive $0xFFFF  }
0x4d: {  	_ =	shalt  }

</sc_bundles>
